<compile_context>
chip_gen: v7x
topology: tpu7x:2x2x1
jax: 0.10.2.dev20260603
libtpu: 0.0.44.dev20260713+nightly
codegen_flags: <defaults>
</compile_context>

<pallas_src>
import functools

import jax
import jax.numpy as jnp
from jax import lax
from jax.experimental import pallas as pl
from jax.experimental.pallas import tpu as pltpu
from jax.experimental.pallas import tpu_sc as plsc

BATCH = 16384
NC, NS = 2, 16
NW = NC * NS
BPW = BATCH // NW
LANES = 16
OUT_D = 28
CHAR_D = 6
BAND_D = 20
LOC_D, FACT_D, GOAL_D = 4, 6, 4
COMB = 4 * BPW
TBL_R = 44


def _sc_encode(comb_idx, achar, comb_tab, c0, c1, c2, c3, c4, c5):
    mesh = plsc.VectorSubcoreMesh(core_axis_name="c", subcore_axis_name="s")

    @functools.partial(
        pl.kernel,
        mesh=mesh,
        compiler_params=pltpu.CompilerParams(
            use_tc_tiling_on_sc=False,
            needs_layout_passes=False),
        out_type=jax.ShapeDtypeStruct((BATCH, OUT_D), jnp.float32),
        scratch_types=[
            pltpu.VMEM((COMB,), jnp.int32),
            pltpu.VMEM((BPW,), jnp.int32),
            pltpu.VMEM((TBL_R, 8), jnp.float32),
            pltpu.VMEM((BPW, 8), jnp.float32),
            pltpu.VMEM((CHAR_D * BPW,), jnp.float32),
            pltpu.VMEM((BPW, BAND_D), jnp.float32),
            pltpu.SemaphoreType.DMA,
            pltpu.SemaphoreType.DMA,
        ],
    )
    def k(ci_h, ca_h, tab_h, c0_h, c1_h, c2_h, c3_h, c4_h, c5_h, out_h,
          ci_v, ca_v, tbl_v, rt_v, rcc_v, band_v, sem_a, sem_b):
        wid = lax.axis_index("s") * NC + lax.axis_index("c")
        base = wid * BPW
        pltpu.sync_copy(ca_h.at[wid], ca_v)
        g_char = []
        for c, col_h in enumerate((c0_h, c1_h, c2_h, c3_h, c4_h, c5_h)):
            g_char.append(pltpu.async_copy(
                col_h.at[ca_v], rcc_v.at[pl.ds(c * BPW, BPW)], sem_b))
        pltpu.sync_copy(ci_h.at[wid], ci_v)
        pltpu.sync_copy(tab_h, tbl_v)

        iota = lax.iota(jnp.int32, LANES)

        c8 = iota % 8
        r8 = iota // 8

        def type_body(i, r):
            rowid = plsc.load_gather(ci_v, [r])
            v = plsc.load_gather(tbl_v, [rowid, c8])
            plsc.store_scatter(rt_v, [r, c8], v)
            return r + 2

        lax.fori_loop(0, BPW * 8 // LANES, type_body, r8, unroll=8)
        out_t = pltpu.async_copy(
            rt_v, out_h.at[pl.ds(base, BPW), pl.ds(0, 8)], sem_a)

        cs4 = iota % 4
        r4 = iota // 4

        def loc_body(i, r):
            rowid = plsc.load_gather(ci_v, [r + BPW]) + 8
            v = plsc.load_gather(tbl_v, [rowid, cs4])
            plsc.store_scatter(band_v, [r, cs4 + CHAR_D], v)
            return r + 4

        fr, fcs = [], []
        for p in range(3):
            e = iota + (p * LANES)
            fr.append(e // FACT_D)
            fcs.append(e % FACT_D)

        def fact_body(i, r):
            for p in range(3):
                rp = r + fr[p]
                rowid = plsc.load_gather(ci_v, [rp + 2 * BPW]) + 12
                v = plsc.load_gather(tbl_v, [rowid, fcs[p]])
                plsc.store_scatter(band_v, [rp, fcs[p] + CHAR_D + LOC_D], v)
            return r + 8

        def goal_body(i, r):
            rowid = plsc.load_gather(ci_v, [r + 3 * BPW]) + 33
            v = plsc.load_gather(tbl_v, [rowid, cs4])
            plsc.store_scatter(band_v, [r, cs4 + (BAND_D - GOAL_D)], v)
            return r + 4

        lax.fori_loop(0, BPW * LOC_D // LANES, loc_body, r4, unroll=4)
        lax.fori_loop(0, BPW * FACT_D // (3 * LANES), fact_body,
                      iota * 0, unroll=2)
        lax.fori_loop(0, BPW * GOAL_D // LANES, goal_body, r4, unroll=4)

        for c in range(CHAR_D):
            g_char[c].wait()

            def char_body(i, r, c=c):
                v = rcc_v[pl.ds(c * BPW + i * LANES, LANES)]
                plsc.store_scatter(band_v, [r, iota * 0 + c], v)
                return r + LANES

            lax.fori_loop(0, BPW // LANES, char_body, iota, unroll=4)

        pltpu.sync_copy(band_v, out_h.at[pl.ds(base, BPW), pl.ds(8, BAND_D)])
        out_t.wait()

    return k(comb_idx, achar, comb_tab, c0, c1, c2, c3, c4, c5)


def kernel(atype, achar, aloc, afact, agoal,
           type_emb, char_emb, loc_emb, fact_emb, goal_emb):
    def pad8(t):
        return jnp.pad(t, ((0, 0), (0, 8 - t.shape[1])))

    comb_tab = jnp.concatenate(
        [type_emb, pad8(loc_emb), pad8(fact_emb), pad8(goal_emb)])

    def w(a):
        return a.astype(jnp.int32).reshape(NW, BPW)

    comb_idx = jnp.concatenate(
        [w(atype), w(aloc), w(afact), w(agoal)], axis=1)

    charT = char_emb.T
    cols = [charT[c] for c in range(CHAR_D)]

    return _sc_encode(comb_idx, w(achar), comb_tab, *cols)

# --- scband reference (transcript-rebuilt; emitter-appended) ---
"""Pipeline reference for scband-action-encoder-1709396984133 (READ-ONLY COPY).

The authoritative reference and input builder live on the scoring server;
editing this copy changes nothing except your own understanding.
"""

import jax, jax.numpy as jnp
import numpy as np

N_ACTION_TYPES = 8
N_CHARS = 1000000
BATCH = 16384

def setup_inputs(seed: int = 0) -> dict:
    key = jax.random.key(seed)
    ks = jax.random.split(key, 10)
    atype = jax.random.randint(ks[0], (BATCH,), 0, N_ACTION_TYPES, dtype=jnp.int64 if jax.config.jax_enable_x64 else jnp.int32)
    achar = jax.random.randint(ks[1], (BATCH,), 0, N_CHARS, dtype=jnp.int32)
    aloc = jax.random.randint(ks[2], (BATCH,), 0, 4, dtype=jnp.int32)
    afact = jax.random.randint(ks[3], (BATCH,), 0, 21, dtype=jnp.int32)
    agoal = jax.random.randint(ks[4], (BATCH,), 0, 11, dtype=jnp.int32)
    type_emb = jax.random.normal(ks[5], (N_ACTION_TYPES, 8), dtype=jnp.float32)
    char_emb = jax.random.normal(ks[6], (N_CHARS + 1, 6), dtype=jnp.float32)
    loc_emb = jax.random.normal(ks[7], (4, 4), dtype=jnp.float32)
    fact_emb = jax.random.normal(ks[8], (21, 6), dtype=jnp.float32)
    goal_emb = jax.random.normal(ks[9], (11, 4), dtype=jnp.float32)
    return {"atype": atype, "achar": achar, "aloc": aloc, "afact": afact, "agoal": agoal,
            "type_emb": type_emb, "char_emb": char_emb, "loc_emb": loc_emb,
            "fact_emb": fact_emb, "goal_emb": goal_emb}

def reference(atype, achar, aloc, afact, agoal, type_emb, char_emb, loc_emb, fact_emb, goal_emb):
    t = jnp.take(type_emb, atype, axis=0)
    c = jnp.take(char_emb, achar, axis=0)
    l = jnp.take(loc_emb, aloc, axis=0)
    f = jnp.take(fact_emb, afact, axis=0)
    g = jnp.take(goal_emb, agoal, axis=0)
    return jnp.concatenate([t, c, l, f, g], axis=-1)

if __name__ == "__main__":
    import jax
    _d = setup_inputs()
    print(jax.jit(kernel)(*tuple(_d.values())))

</pallas_src>

<mosaic_0001>
#map = affine_map<(d0, d1) -> (0, 0)>
#map1 = affine_map<(d0, d1) -> (0)>
module attributes {stable_mosaic.version = 14 : i64} {
  func.func @k(%arg0: i32, %arg1: i32, %arg2: memref<32x2048xi32, #tpu.memory_space<hbm>>, %arg3: memref<32x512xi32, #tpu.memory_space<hbm>>, %arg4: memref<44x8xf32, #tpu.memory_space<hbm>>, %arg5: memref<1000001xf32, #tpu.memory_space<hbm>>, %arg6: memref<1000001xf32, #tpu.memory_space<hbm>>, %arg7: memref<1000001xf32, #tpu.memory_space<hbm>>, %arg8: memref<1000001xf32, #tpu.memory_space<hbm>>, %arg9: memref<1000001xf32, #tpu.memory_space<hbm>>, %arg10: memref<1000001xf32, #tpu.memory_space<hbm>>, %arg11: memref<16384x28xf32, #tpu.memory_space<hbm>>, %arg12: memref<2048xi32, #tpu.memory_space<vmem>>, %arg13: memref<512xi32, #tpu.memory_space<vmem>>, %arg14: memref<44x8xf32, #tpu.memory_space<vmem>>, %arg15: memref<512x8xf32, #tpu.memory_space<vmem>>, %arg16: memref<3072xf32, #tpu.memory_space<vmem>>, %arg17: memref<512x20xf32, #tpu.memory_space<vmem>>, %arg18: memref<!tpu.dma_semaphore, #tpu.memory_space<semaphore_mem>>, %arg19: memref<!tpu.dma_semaphore, #tpu.memory_space<semaphore_mem>>) attributes {dimension_semantics = [#tpu.dimension_semantics<core_parallel>, #tpu.dimension_semantics<subcore_parallel>], iteration_bounds = array<i64: 2, 16>, scalar_prefetch = 0 : i64, scratch_operands = 8 : i64, tpu.core_type = #tpu.core_type<sc_vector_subcore>, window_params = [{transform_indices = #map}, {transform_indices = #map}, {transform_indices = #map}, {transform_indices = #map1}, {transform_indices = #map1}, {transform_indices = #map1}, {transform_indices = #map1}, {transform_indices = #map1}, {transform_indices = #map1}, {transform_indices = #map}]} {
    %mul3A = arith.constant 2 : i32
    %mul3A_0 = arith.muli %arg1, %mul3A : i32
    %add3A = arith.addi %mul3A_0, %arg0 : i32
    %mul3A_1 = arith.constant 512 : i32
    %mul3A_2 = arith.muli %add3A, %mul3A_1 : i32
    "tpu.region"() ({
      %run_scoped3A = tpu.sem_alloc : memref<!tpu.dma_semaphore, #tpu.memory_space<semaphore_mem>>
      %dma_start3A_383 = arith.constant 0 : i32
      %dma_start3A_384 = tpu.memref_slice %arg3[%add3A, %dma_start3A_383] : memref<32x512xi32, #tpu.memory_space<hbm>> -> memref<1x512xi32, #tpu.memory_space<hbm>>
      %dma_start3A_385 = tpu.memref_squeeze %dma_start3A_384 : memref<1x512xi32, #tpu.memory_space<hbm>> -> memref<512xi32, #tpu.memory_space<hbm>>
      %dma_start3A_386 = arith.constant 0 : i32
      %dma_start3A_387 = tpu.memref_slice %arg3[%add3A, %dma_start3A_386] : memref<32x512xi32, #tpu.memory_space<hbm>> -> memref<1x512xi32, #tpu.memory_space<hbm>>
      %dma_start3A_388 = tpu.memref_squeeze %dma_start3A_387 : memref<1x512xi32, #tpu.memory_space<hbm>> -> memref<512xi32, #tpu.memory_space<hbm>>
      tpu.enqueue_dma source(%dma_start3A_388 : memref<512xi32, #tpu.memory_space<hbm>>) target(%arg13 : memref<512xi32, #tpu.memory_space<vmem>>) target_semaphore(%run_scoped3A : memref<!tpu.dma_semaphore, #tpu.memory_space<semaphore_mem>>)
      %dma_wait3A_389 = arith.constant 0 : i32
      %dma_wait3A_390 = tpu.memref_slice %arg3[%add3A, %dma_wait3A_389] : memref<32x512xi32, #tpu.memory_space<hbm>> -> memref<1x512xi32, #tpu.memory_space<hbm>>
      %dma_wait3A_391 = tpu.memref_squeeze %dma_wait3A_390 : memref<1x512xi32, #tpu.memory_space<hbm>> -> memref<512xi32, #tpu.memory_space<hbm>>
      %dma_wait3A_392 = arith.constant 0 : i32
      %dma_wait3A_393 = tpu.memref_slice %arg3[%add3A, %dma_wait3A_392] : memref<32x512xi32, #tpu.memory_space<hbm>> -> memref<1x512xi32, #tpu.memory_space<hbm>>
      %dma_wait3A_394 = tpu.memref_squeeze %dma_wait3A_393 : memref<1x512xi32, #tpu.memory_space<hbm>> -> memref<512xi32, #tpu.memory_space<hbm>>
      tpu.wait_dma2 semaphore(%run_scoped3A : memref<!tpu.dma_semaphore, #tpu.memory_space<semaphore_mem>>) src(%dma_wait3A_394 : memref<512xi32, #tpu.memory_space<hbm>>) dst(%arg13 : memref<512xi32, #tpu.memory_space<vmem>>)
      tpu.yield
    }) : () -> ()
    %dma_start3A = arith.constant 0 : i32
    %dma_start3A_3 = tpu.memref_slice %arg16[%dma_start3A] : memref<3072xf32, #tpu.memory_space<vmem>> -> memref<512xf32, #tpu.memory_space<vmem>>
    %dma_start3A_4 = arith.constant 0 : i32
    %dma_start3A_5 = tpu.memref_slice %arg5[%dma_start3A_4] : memref<1000001xf32, #tpu.memory_space<hbm>> -> memref<1000001xf32, #tpu.memory_space<hbm>>
    tpu.enqueue_indirect_dma source(%dma_start3A_5 : memref<1000001xf32, #tpu.memory_space<hbm>>) target(%dma_start3A_3 : memref<512xf32, #tpu.memory_space<vmem>>) offsets(%arg13 : memref<512xi32, #tpu.memory_space<vmem>>) semaphore(%arg19 : memref<!tpu.dma_semaphore, #tpu.memory_space<semaphore_mem>>)
    %dma_start3A_6 = arith.constant 512 : i32
    %dma_start3A_7 = tpu.memref_slice %arg16[%dma_start3A_6] : memref<3072xf32, #tpu.memory_space<vmem>> -> memref<512xf32, #tpu.memory_space<vmem>>
    %dma_start3A_8 = arith.constant 0 : i32
    %dma_start3A_9 = tpu.memref_slice %arg6[%dma_start3A_8] : memref<1000001xf32, #tpu.memory_space<hbm>> -> memref<1000001xf32, #tpu.memory_space<hbm>>
    tpu.enqueue_indirect_dma source(%dma_start3A_9 : memref<1000001xf32, #tpu.memory_space<hbm>>) target(%dma_start3A_7 : memref<512xf32, #tpu.memory_space<vmem>>) offsets(%arg13 : memref<512xi32, #tpu.memory_space<vmem>>) semaphore(%arg19 : memref<!tpu.dma_semaphore, #tpu.memory_space<semaphore_mem>>)
    %dma_start3A_10 = arith.constant 1024 : i32
    %dma_start3A_11 = tpu.memref_slice %arg16[%dma_start3A_10] : memref<3072xf32, #tpu.memory_space<vmem>> -> memref<512xf32, #tpu.memory_space<vmem>>
    %dma_start3A_12 = arith.constant 0 : i32
    %dma_start3A_13 = tpu.memref_slice %arg7[%dma_start3A_12] : memref<1000001xf32, #tpu.memory_space<hbm>> -> memref<1000001xf32, #tpu.memory_space<hbm>>
    tpu.enqueue_indirect_dma source(%dma_start3A_13 : memref<1000001xf32, #tpu.memory_space<hbm>>) target(%dma_start3A_11 : memref<512xf32, #tpu.memory_space<vmem>>) offsets(%arg13 : memref<512xi32, #tpu.memory_space<vmem>>) semaphore(%arg19 : memref<!tpu.dma_semaphore, #tpu.memory_space<semaphore_mem>>)
    %dma_start3A_14 = arith.constant 1536 : i32
    %dma_start3A_15 = tpu.memref_slice %arg16[%dma_start3A_14] : memref<3072xf32, #tpu.memory_space<vmem>> -> memref<512xf32, #tpu.memory_space<vmem>>
    %dma_start3A_16 = arith.constant 0 : i32
    %dma_start3A_17 = tpu.memref_slice %arg8[%dma_start3A_16] : memref<1000001xf32, #tpu.memory_space<hbm>> -> memref<1000001xf32, #tpu.memory_space<hbm>>
    tpu.enqueue_indirect_dma source(%dma_start3A_17 : memref<1000001xf32, #tpu.memory_space<hbm>>) target(%dma_start3A_15 : memref<512xf32, #tpu.memory_space<vmem>>) offsets(%arg13 : memref<512xi32, #tpu.memory_space<vmem>>) semaphore(%arg19 : memref<!tpu.dma_semaphore, #tpu.memory_space<semaphore_mem>>)
    %dma_start3A_18 = arith.constant 2048 : i32
    %dma_start3A_19 = tpu.memref_slice %arg16[%dma_start3A_18] : memref<3072xf32, #tpu.memory_space<vmem>> -> memref<512xf32, #tpu.memory_space<vmem>>
    %dma_start3A_20 = arith.constant 0 : i32
    %dma_start3A_21 = tpu.memref_slice %arg9[%dma_start3A_20] : memref<1000001xf32, #tpu.memory_space<hbm>> -> memref<1000001xf32, #tpu.memory_space<hbm>>
    tpu.enqueue_indirect_dma source(%dma_start3A_21 : memref<1000001xf32, #tpu.memory_space<hbm>>) target(%dma_start3A_19 : memref<512xf32, #tpu.memory_space<vmem>>) offsets(%arg13 : memref<512xi32, #tpu.memory_space<vmem>>) semaphore(%arg19 : memref<!tpu.dma_semaphore, #tpu.memory_space<semaphore_mem>>)
    %dma_start3A_22 = arith.constant 2560 : i32
    %dma_start3A_23 = tpu.memref_slice %arg16[%dma_start3A_22] : memref<3072xf32, #tpu.memory_space<vmem>> -> memref<512xf32, #tpu.memory_space<vmem>>
    %dma_start3A_24 = arith.constant 0 : i32
    %dma_start3A_25 = tpu.memref_slice %arg10[%dma_start3A_24] : memref<1000001xf32, #tpu.memory_space<hbm>> -> memref<1000001xf32, #tpu.memory_space<hbm>>
    tpu.enqueue_indirect_dma source(%dma_start3A_25 : memref<1000001xf32, #tpu.memory_space<hbm>>) target(%dma_start3A_23 : memref<512xf32, #tpu.memory_space<vmem>>) offsets(%arg13 : memref<512xi32, #tpu.memory_space<vmem>>) semaphore(%arg19 : memref<!tpu.dma_semaphore, #tpu.memory_space<semaphore_mem>>)
    "tpu.region"() ({
      %run_scoped3A = tpu.sem_alloc : memref<!tpu.dma_semaphore, #tpu.memory_space<semaphore_mem>>
      %dma_start3A_383 = arith.constant 0 : i32
      %dma_start3A_384 = tpu.memref_slice %arg2[%add3A, %dma_start3A_383] : memref<32x2048xi32, #tpu.memory_space<hbm>> -> memref<1x2048xi32, #tpu.memory_space<hbm>>
      %dma_start3A_385 = tpu.memref_squeeze %dma_start3A_384 : memref<1x2048xi32, #tpu.memory_space<hbm>> -> memref<2048xi32, #tpu.memory_space<hbm>>
      %dma_start3A_386 = arith.constant 0 : i32
      %dma_start3A_387 = tpu.memref_slice %arg2[%add3A, %dma_start3A_386] : memref<32x2048xi32, #tpu.memory_space<hbm>> -> memref<1x2048xi32, #tpu.memory_space<hbm>>
      %dma_start3A_388 = tpu.memref_squeeze %dma_start3A_387 : memref<1x2048xi32, #tpu.memory_space<hbm>> -> memref<2048xi32, #tpu.memory_space<hbm>>
      tpu.enqueue_dma source(%dma_start3A_388 : memref<2048xi32, #tpu.memory_space<hbm>>) target(%arg12 : memref<2048xi32, #tpu.memory_space<vmem>>) target_semaphore(%run_scoped3A : memref<!tpu.dma_semaphore, #tpu.memory_space<semaphore_mem>>)
      %dma_wait3A_389 = arith.constant 0 : i32
      %dma_wait3A_390 = tpu.memref_slice %arg2[%add3A, %dma_wait3A_389] : memref<32x2048xi32, #tpu.memory_space<hbm>> -> memref<1x2048xi32, #tpu.memory_space<hbm>>
      %dma_wait3A_391 = tpu.memref_squeeze %dma_wait3A_390 : memref<1x2048xi32, #tpu.memory_space<hbm>> -> memref<2048xi32, #tpu.memory_space<hbm>>
      %dma_wait3A_392 = arith.constant 0 : i32
      %dma_wait3A_393 = tpu.memref_slice %arg2[%add3A, %dma_wait3A_392] : memref<32x2048xi32, #tpu.memory_space<hbm>> -> memref<1x2048xi32, #tpu.memory_space<hbm>>
      %dma_wait3A_394 = tpu.memref_squeeze %dma_wait3A_393 : memref<1x2048xi32, #tpu.memory_space<hbm>> -> memref<2048xi32, #tpu.memory_space<hbm>>
      tpu.wait_dma2 semaphore(%run_scoped3A : memref<!tpu.dma_semaphore, #tpu.memory_space<semaphore_mem>>) src(%dma_wait3A_394 : memref<2048xi32, #tpu.memory_space<hbm>>) dst(%arg12 : memref<2048xi32, #tpu.memory_space<vmem>>)
      tpu.yield
    }) : () -> ()
    "tpu.region"() ({
      %run_scoped3A = tpu.sem_alloc : memref<!tpu.dma_semaphore, #tpu.memory_space<semaphore_mem>>
      tpu.enqueue_dma source(%arg4 : memref<44x8xf32, #tpu.memory_space<hbm>>) target(%arg14 : memref<44x8xf32, #tpu.memory_space<vmem>>) target_semaphore(%run_scoped3A : memref<!tpu.dma_semaphore, #tpu.memory_space<semaphore_mem>>)
      tpu.wait_dma2 semaphore(%run_scoped3A : memref<!tpu.dma_semaphore, #tpu.memory_space<semaphore_mem>>) src(%arg4 : memref<44x8xf32, #tpu.memory_space<hbm>>) dst(%arg14 : memref<44x8xf32, #tpu.memory_space<vmem>>)
      tpu.yield
    }) : () -> ()
    %iota3A = tpu.iota {dimensions = array<i32: 0>} : vector<16xi32>
    %jit3A = arith.constant 8 : i32
    %eq3A = arith.constant 0 : i32
    %eq3A_26 = arith.cmpi eq, %jit3A, %eq3A : i32
    %jit3A_27 = arith.constant 1 : i32
    %select_n3A = arith.select %eq3A_26, %jit3A_27, %jit3A : i32
    %rem3A = vector.broadcast %select_n3A : i32 to vector<16xi32>
    %rem3A_28 = arith.remsi %iota3A, %rem3A : vector<16xi32>
    %ne3A = arith.constant 0 : i32
    %ne3A_29 = vector.broadcast %ne3A : i32 to vector<16xi32>
    %ne3A_30 = arith.cmpi ne, %rem3A_28, %ne3A_29 : vector<16xi32>
    %lt3A = arith.constant 0 : i32
    %lt3A_31 = vector.broadcast %lt3A : i32 to vector<16xi32>
    %lt3A_32 = arith.cmpi slt, %rem3A_28, %lt3A_31 : vector<16xi32>
    %lt3A_33 = arith.constant 0 : i32
    %lt3A_34 = arith.cmpi slt, %select_n3A, %lt3A_33 : i32
    %ne3A_35 = vector.broadcast %lt3A_34 : i1 to vector<16xi1>
    %ne3A_36 = vector.broadcast %ne3A_35 : vector<16xi1> to vector<16xi1>
    %ne3A_37 = arith.xori %lt3A_32, %ne3A_36 : vector<16xi1>
    %and3A = arith.andi %ne3A_37, %ne3A_30 : vector<16xi1>
    %add3A_38 = vector.broadcast %select_n3A : i32 to vector<16xi32>
    %add3A_39 = arith.addi %rem3A_28, %add3A_38 : vector<16xi32>
    %select_n3A_40 = arith.select %and3A, %add3A_39, %rem3A_28 : vector<16xi1>, vector<16xi32>
    %jit3A_41 = arith.constant 8 : i32
    %div3A = vector.broadcast %jit3A_41 : i32 to vector<16xi32>
    %div3A_42 = arith.divsi %iota3A, %div3A : vector<16xi32>
    %sign3A = arith.constant 0 : i32
    %sign3A_43 = vector.broadcast %sign3A : i32 to vector<16xi32>
    %sign3A_44 = arith.cmpi sgt, %iota3A, %sign3A_43 : vector<16xi32>
    %sign3A_45 = arith.extui %sign3A_44 : vector<16xi1> to vector<16xi32>
    %sign3A_46 = arith.constant 0 : i32
    %sign3A_47 = vector.broadcast %sign3A_46 : i32 to vector<16xi32>
    %sign3A_48 = arith.cmpi slt, %iota3A, %sign3A_47 : vector<16xi32>
    %sign3A_49 = arith.extui %sign3A_48 : vector<16xi1> to vector<16xi32>
    %sign3A_50 = arith.subi %sign3A_45, %sign3A_49 : vector<16xi32>
    %sign3A_51 = arith.constant 0 : i32
    %sign3A_52 = arith.cmpi sgt, %jit3A_41, %sign3A_51 : i32
    %sign3A_53 = arith.extui %sign3A_52 : i1 to i32
    %sign3A_54 = arith.constant 0 : i32
    %sign3A_55 = arith.cmpi slt, %jit3A_41, %sign3A_54 : i32
    %sign3A_56 = arith.extui %sign3A_55 : i1 to i32
    %sign3A_57 = arith.subi %sign3A_53, %sign3A_56 : i32
    %ne3A_58 = vector.broadcast %sign3A_57 : i32 to vector<16xi32>
    %ne3A_59 = arith.cmpi ne, %sign3A_50, %ne3A_58 : vector<16xi32>
    %rem3A_60 = vector.broadcast %jit3A_41 : i32 to vector<16xi32>
    %rem3A_61 = arith.remsi %iota3A, %rem3A_60 : vector<16xi32>
    %ne3A_62 = arith.constant 0 : i32
    %ne3A_63 = vector.broadcast %ne3A_62 : i32 to vector<16xi32>
    %ne3A_64 = arith.cmpi ne, %rem3A_61, %ne3A_63 : vector<16xi32>
    %and3A_65 = arith.andi %ne3A_59, %ne3A_64 : vector<16xi1>
    %sub3A = arith.constant 1 : i32
    %sub3A_66 = vector.broadcast %sub3A : i32 to vector<16xi32>
    %sub3A_67 = arith.subi %div3A_42, %sub3A_66 : vector<16xi32>
    %select_n3A_68 = arith.select %and3A_65, %sub3A_67, %div3A_42 : vector<16xi1>, vector<16xi32>
    %scan3A = arith.constant 0 : i32
    %scan3A_69 = arith.constant 256 : i32
    %scan3A_70 = arith.addi %scan3A, %scan3A_69 : i32
    %scan3A_71 = arith.constant 8 : i32
    %scan3A_72 = scf.for %scan3A_383 = %scan3A to %scan3A_70 step %scan3A_71 iter_args(%scan3A_384 = %select_n3A_68) -> (vector<16xi32>)  : i32 {
      %gather3A = tpu.vector_load_idx %arg12[%scan3A_384] : memref<2048xi32, #tpu.memory_space<vmem>>[vector<16xi32>], vector<16xi32>,
      %gather3A_385 = tpu.vector_load_idx %arg14[%gather3A, %select_n3A_40] : memref<44x8xf32, #tpu.memory_space<vmem>>[vector<16xi32>, vector<16xi32>], vector<16xf32>,
      tpu.vector_store_idx %arg15[%scan3A_384, %select_n3A_40], %gather3A_385 : memref<512x8xf32, #tpu.memory_space<vmem>>[vector<16xi32>, vector<16xi32>], vector<16xf32>,
      %add3A_386 = arith.constant 2 : i32
      %add3A_387 = vector.broadcast %add3A_386 : i32 to vector<16xi32>
      %add3A_388 = arith.addi %scan3A_384, %add3A_387 : vector<16xi32>
      %scan3A_389 = arith.constant 1 : i32
      %scan3A_390 = arith.addi %scan3A_383, %scan3A_389 : i32
      %gather3A_391 = tpu.vector_load_idx %arg12[%add3A_388] : memref<2048xi32, #tpu.memory_space<vmem>>[vector<16xi32>], vector<16xi32>,
      %gather3A_392 = tpu.vector_load_idx %arg14[%gather3A_391, %select_n3A_40] : memref<44x8xf32, #tpu.memory_space<vmem>>[vector<16xi32>, vector<16xi32>], vector<16xf32>,
      tpu.vector_store_idx %arg15[%add3A_388, %select_n3A_40], %gather3A_392 : memref<512x8xf32, #tpu.memory_space<vmem>>[vector<16xi32>, vector<16xi32>], vector<16xf32>,
      %add3A_393 = arith.constant 2 : i32
      %add3A_394 = vector.broadcast %add3A_393 : i32 to vector<16xi32>
      %add3A_395 = arith.addi %add3A_388, %add3A_394 : vector<16xi32>
      %scan3A_396 = arith.constant 2 : i32
      %scan3A_397 = arith.addi %scan3A_383, %scan3A_396 : i32
      %gather3A_398 = tpu.vector_load_idx %arg12[%add3A_395] : memref<2048xi32, #tpu.memory_space<vmem>>[vector<16xi32>], vector<16xi32>,
      %gather3A_399 = tpu.vector_load_idx %arg14[%gather3A_398, %select_n3A_40] : memref<44x8xf32, #tpu.memory_space<vmem>>[vector<16xi32>, vector<16xi32>], vector<16xf32>,
      tpu.vector_store_idx %arg15[%add3A_395, %select_n3A_40], %gather3A_399 : memref<512x8xf32, #tpu.memory_space<vmem>>[vector<16xi32>, vector<16xi32>], vector<16xf32>,
      %add3A_400 = arith.constant 2 : i32
      %add3A_401 = vector.broadcast %add3A_400 : i32 to vector<16xi32>
      %add3A_402 = arith.addi %add3A_395, %add3A_401 : vector<16xi32>
      %scan3A_403 = arith.constant 3 : i32
      %scan3A_404 = arith.addi %scan3A_383, %scan3A_403 : i32
      %gather3A_405 = tpu.vector_load_idx %arg12[%add3A_402] : memref<2048xi32, #tpu.memory_space<vmem>>[vector<16xi32>], vector<16xi32>,
      %gather3A_406 = tpu.vector_load_idx %arg14[%gather3A_405, %select_n3A_40] : memref<44x8xf32, #tpu.memory_space<vmem>>[vector<16xi32>, vector<16xi32>], vector<16xf32>,
      tpu.vector_store_idx %arg15[%add3A_402, %select_n3A_40], %gather3A_406 : memref<512x8xf32, #tpu.memory_space<vmem>>[vector<16xi32>, vector<16xi32>], vector<16xf32>,
      %add3A_407 = arith.constant 2 : i32
      %add3A_408 = vector.broadcast %add3A_407 : i32 to vector<16xi32>
      %add3A_409 = arith.addi %add3A_402, %add3A_408 : vector<16xi32>
      %scan3A_410 = arith.constant 4 : i32
      %scan3A_411 = arith.addi %scan3A_383, %scan3A_410 : i32
      %gather3A_412 = tpu.vector_load_idx %arg12[%add3A_409] : memref<2048xi32, #tpu.memory_space<vmem>>[vector<16xi32>], vector<16xi32>,
      %gather3A_413 = tpu.vector_load_idx %arg14[%gather3A_412, %select_n3A_40] : memref<44x8xf32, #tpu.memory_space<vmem>>[vector<16xi32>, vector<16xi32>], vector<16xf32>,
      tpu.vector_store_idx %arg15[%add3A_409, %select_n3A_40], %gather3A_413 : memref<512x8xf32, #tpu.memory_space<vmem>>[vector<16xi32>, vector<16xi32>], vector<16xf32>,
      %add3A_414 = arith.constant 2 : i32
      %add3A_415 = vector.broadcast %add3A_414 : i32 to vector<16xi32>
      %add3A_416 = arith.addi %add3A_409, %add3A_415 : vector<16xi32>
      %scan3A_417 = arith.constant 5 : i32
      %scan3A_418 = arith.addi %scan3A_383, %scan3A_417 : i32
      %gather3A_419 = tpu.vector_load_idx %arg12[%add3A_416] : memref<2048xi32, #tpu.memory_space<vmem>>[vector<16xi32>], vector<16xi32>,
      %gather3A_420 = tpu.vector_load_idx %arg14[%gather3A_419, %select_n3A_40] : memref<44x8xf32, #tpu.memory_space<vmem>>[vector<16xi32>, vector<16xi32>], vector<16xf32>,
      tpu.vector_store_idx %arg15[%add3A_416, %select_n3A_40], %gather3A_420 : memref<512x8xf32, #tpu.memory_space<vmem>>[vector<16xi32>, vector<16xi32>], vector<16xf32>,
      %add3A_421 = arith.constant 2 : i32
      %add3A_422 = vector.broadcast %add3A_421 : i32 to vector<16xi32>
      %add3A_423 = arith.addi %add3A_416, %add3A_422 : vector<16xi32>
      %scan3A_424 = arith.constant 6 : i32
      %scan3A_425 = arith.addi %scan3A_383, %scan3A_424 : i32
      %gather3A_426 = tpu.vector_load_idx %arg12[%add3A_423] : memref<2048xi32, #tpu.memory_space<vmem>>[vector<16xi32>], vector<16xi32>,
      %gather3A_427 = tpu.vector_load_idx %arg14[%gather3A_426, %select_n3A_40] : memref<44x8xf32, #tpu.memory_space<vmem>>[vector<16xi32>, vector<16xi32>], vector<16xf32>,
      tpu.vector_store_idx %arg15[%add3A_423, %select_n3A_40], %gather3A_427 : memref<512x8xf32, #tpu.memory_space<vmem>>[vector<16xi32>, vector<16xi32>], vector<16xf32>,
      %add3A_428 = arith.constant 2 : i32
      %add3A_429 = vector.broadcast %add3A_428 : i32 to vector<16xi32>
      %add3A_430 = arith.addi %add3A_423, %add3A_429 : vector<16xi32>
      %scan3A_431 = arith.constant 7 : i32
      %scan3A_432 = arith.addi %scan3A_383, %scan3A_431 : i32
      %gather3A_433 = tpu.vector_load_idx %arg12[%add3A_430] : memref<2048xi32, #tpu.memory_space<vmem>>[vector<16xi32>], vector<16xi32>,
      %gather3A_434 = tpu.vector_load_idx %arg14[%gather3A_433, %select_n3A_40] : memref<44x8xf32, #tpu.memory_space<vmem>>[vector<16xi32>, vector<16xi32>], vector<16xf32>,
      tpu.vector_store_idx %arg15[%add3A_430, %select_n3A_40], %gather3A_434 : memref<512x8xf32, #tpu.memory_space<vmem>>[vector<16xi32>, vector<16xi32>], vector<16xf32>,
      %add3A_435 = arith.constant 2 : i32
      %add3A_436 = vector.broadcast %add3A_435 : i32 to vector<16xi32>
      %add3A_437 = arith.addi %add3A_430, %add3A_436 : vector<16xi32>
      scf.yield %add3A_437 : vector<16xi32>
    }
    %scan3A_73 = arith.constant 256 : i32
    %dma_start3A_74 = arith.constant 0 : i32
    %dma_start3A_75 = tpu.memref_slice %arg11[%mul3A_2, %dma_start3A_74] : memref<16384x28xf32, #tpu.memory_space<hbm>> -> memref<512x8xf32, #tpu.memory_space<hbm>>
    %dma_start3A_76 = arith.constant 0 : i32
    %dma_start3A_77 = tpu.memref_slice %arg11[%mul3A_2, %dma_start3A_76] : memref<16384x28xf32, #tpu.memory_space<hbm>> -> memref<512x8xf32, #tpu.memory_space<hbm>>
    tpu.enqueue_dma source(%arg15 : memref<512x8xf32, #tpu.memory_space<vmem>>) target(%dma_start3A_77 : memref<512x8xf32, #tpu.memory_space<hbm>>) target_semaphore(%arg18 : memref<!tpu.dma_semaphore, #tpu.memory_space<semaphore_mem>>)
    %jit3A_78 = arith.constant 4 : i32
    %eq3A_79 = arith.constant 0 : i32
    %eq3A_80 = arith.cmpi eq, %jit3A_78, %eq3A_79 : i32
    %jit3A_81 = arith.constant 1 : i32
    %select_n3A_82 = arith.select %eq3A_80, %jit3A_81, %jit3A_78 : i32
    %rem3A_83 = vector.broadcast %select_n3A_82 : i32 to vector<16xi32>
    %rem3A_84 = arith.remsi %iota3A, %rem3A_83 : vector<16xi32>
    %ne3A_85 = arith.constant 0 : i32
    %ne3A_86 = vector.broadcast %ne3A_85 : i32 to vector<16xi32>
    %ne3A_87 = arith.cmpi ne, %rem3A_84, %ne3A_86 : vector<16xi32>
    %lt3A_88 = arith.constant 0 : i32
    %lt3A_89 = vector.broadcast %lt3A_88 : i32 to vector<16xi32>
    %lt3A_90 = arith.cmpi slt, %rem3A_84, %lt3A_89 : vector<16xi32>
    %lt3A_91 = arith.constant 0 : i32
    %lt3A_92 = arith.cmpi slt, %select_n3A_82, %lt3A_91 : i32
    %ne3A_93 = vector.broadcast %lt3A_92 : i1 to vector<16xi1>
    %ne3A_94 = vector.broadcast %ne3A_93 : vector<16xi1> to vector<16xi1>
    %ne3A_95 = arith.xori %lt3A_90, %ne3A_94 : vector<16xi1>
    %and3A_96 = arith.andi %ne3A_95, %ne3A_87 : vector<16xi1>
    %add3A_97 = vector.broadcast %select_n3A_82 : i32 to vector<16xi32>
    %add3A_98 = arith.addi %rem3A_84, %add3A_97 : vector<16xi32>
    %select_n3A_99 = arith.select %and3A_96, %add3A_98, %rem3A_84 : vector<16xi1>, vector<16xi32>
    %jit3A_100 = arith.constant 4 : i32
    %div3A_101 = vector.broadcast %jit3A_100 : i32 to vector<16xi32>
    %div3A_102 = arith.divsi %iota3A, %div3A_101 : vector<16xi32>
    %sign3A_103 = arith.constant 0 : i32
    %sign3A_104 = vector.broadcast %sign3A_103 : i32 to vector<16xi32>
    %sign3A_105 = arith.cmpi sgt, %iota3A, %sign3A_104 : vector<16xi32>
    %sign3A_106 = arith.extui %sign3A_105 : vector<16xi1> to vector<16xi32>
    %sign3A_107 = arith.constant 0 : i32
    %sign3A_108 = vector.broadcast %sign3A_107 : i32 to vector<16xi32>
    %sign3A_109 = arith.cmpi slt, %iota3A, %sign3A_108 : vector<16xi32>
    %sign3A_110 = arith.extui %sign3A_109 : vector<16xi1> to vector<16xi32>
    %sign3A_111 = arith.subi %sign3A_106, %sign3A_110 : vector<16xi32>
    %sign3A_112 = arith.constant 0 : i32
    %sign3A_113 = arith.cmpi sgt, %jit3A_100, %sign3A_112 : i32
    %sign3A_114 = arith.extui %sign3A_113 : i1 to i32
    %sign3A_115 = arith.constant 0 : i32
    %sign3A_116 = arith.cmpi slt, %jit3A_100, %sign3A_115 : i32
    %sign3A_117 = arith.extui %sign3A_116 : i1 to i32
    %sign3A_118 = arith.subi %sign3A_114, %sign3A_117 : i32
    %ne3A_119 = vector.broadcast %sign3A_118 : i32 to vector<16xi32>
    %ne3A_120 = arith.cmpi ne, %sign3A_111, %ne3A_119 : vector<16xi32>
    %rem3A_121 = vector.broadcast %jit3A_100 : i32 to vector<16xi32>
    %rem3A_122 = arith.remsi %iota3A, %rem3A_121 : vector<16xi32>
    %ne3A_123 = arith.constant 0 : i32
    %ne3A_124 = vector.broadcast %ne3A_123 : i32 to vector<16xi32>
    %ne3A_125 = arith.cmpi ne, %rem3A_122, %ne3A_124 : vector<16xi32>
    %and3A_126 = arith.andi %ne3A_120, %ne3A_125 : vector<16xi1>
    %sub3A_127 = arith.constant 1 : i32
    %sub3A_128 = vector.broadcast %sub3A_127 : i32 to vector<16xi32>
    %sub3A_129 = arith.subi %div3A_102, %sub3A_128 : vector<16xi32>
    %select_n3A_130 = arith.select %and3A_126, %sub3A_129, %div3A_102 : vector<16xi1>, vector<16xi32>
    %add3A_131 = arith.constant 0 : i32
    %add3A_132 = vector.broadcast %add3A_131 : i32 to vector<16xi32>
    %add3A_133 = arith.addi %iota3A, %add3A_132 : vector<16xi32>
    %jit3A_134 = arith.constant 6 : i32
    %div3A_135 = vector.broadcast %jit3A_134 : i32 to vector<16xi32>
    %div3A_136 = arith.divsi %add3A_133, %div3A_135 : vector<16xi32>
    %sign3A_137 = arith.constant 0 : i32
    %sign3A_138 = vector.broadcast %sign3A_137 : i32 to vector<16xi32>
    %sign3A_139 = arith.cmpi sgt, %add3A_133, %sign3A_138 : vector<16xi32>
    %sign3A_140 = arith.extui %sign3A_139 : vector<16xi1> to vector<16xi32>
    %sign3A_141 = arith.constant 0 : i32
    %sign3A_142 = vector.broadcast %sign3A_141 : i32 to vector<16xi32>
    %sign3A_143 = arith.cmpi slt, %add3A_133, %sign3A_142 : vector<16xi32>
    %sign3A_144 = arith.extui %sign3A_143 : vector<16xi1> to vector<16xi32>
    %sign3A_145 = arith.subi %sign3A_140, %sign3A_144 : vector<16xi32>
    %sign3A_146 = arith.constant 0 : i32
    %sign3A_147 = arith.cmpi sgt, %jit3A_134, %sign3A_146 : i32
    %sign3A_148 = arith.extui %sign3A_147 : i1 to i32
    %sign3A_149 = arith.constant 0 : i32
    %sign3A_150 = arith.cmpi slt, %jit3A_134, %sign3A_149 : i32
    %sign3A_151 = arith.extui %sign3A_150 : i1 to i32
    %sign3A_152 = arith.subi %sign3A_148, %sign3A_151 : i32
    %ne3A_153 = vector.broadcast %sign3A_152 : i32 to vector<16xi32>
    %ne3A_154 = arith.cmpi ne, %sign3A_145, %ne3A_153 : vector<16xi32>
    %rem3A_155 = vector.broadcast %jit3A_134 : i32 to vector<16xi32>
    %rem3A_156 = arith.remsi %add3A_133, %rem3A_155 : vector<16xi32>
    %ne3A_157 = arith.constant 0 : i32
    %ne3A_158 = vector.broadcast %ne3A_157 : i32 to vector<16xi32>
    %ne3A_159 = arith.cmpi ne, %rem3A_156, %ne3A_158 : vector<16xi32>
    %and3A_160 = arith.andi %ne3A_154, %ne3A_159 : vector<16xi1>
    %sub3A_161 = arith.constant 1 : i32
    %sub3A_162 = vector.broadcast %sub3A_161 : i32 to vector<16xi32>
    %sub3A_163 = arith.subi %div3A_136, %sub3A_162 : vector<16xi32>
    %select_n3A_164 = arith.select %and3A_160, %sub3A_163, %div3A_136 : vector<16xi1>, vector<16xi32>
    %jit3A_165 = arith.constant 6 : i32
    %eq3A_166 = arith.constant 0 : i32
    %eq3A_167 = arith.cmpi eq, %jit3A_165, %eq3A_166 : i32
    %jit3A_168 = arith.constant 1 : i32
    %select_n3A_169 = arith.select %eq3A_167, %jit3A_168, %jit3A_165 : i32
    %rem3A_170 = vector.broadcast %select_n3A_169 : i32 to vector<16xi32>
    %rem3A_171 = arith.remsi %add3A_133, %rem3A_170 : vector<16xi32>
    %ne3A_172 = arith.constant 0 : i32
    %ne3A_173 = vector.broadcast %ne3A_172 : i32 to vector<16xi32>
    %ne3A_174 = arith.cmpi ne, %rem3A_171, %ne3A_173 : vector<16xi32>
    %lt3A_175 = arith.constant 0 : i32
    %lt3A_176 = vector.broadcast %lt3A_175 : i32 to vector<16xi32>
    %lt3A_177 = arith.cmpi slt, %rem3A_171, %lt3A_176 : vector<16xi32>
    %lt3A_178 = arith.constant 0 : i32
    %lt3A_179 = arith.cmpi slt, %select_n3A_169, %lt3A_178 : i32
    %ne3A_180 = vector.broadcast %lt3A_179 : i1 to vector<16xi1>
    %ne3A_181 = vector.broadcast %ne3A_180 : vector<16xi1> to vector<16xi1>
    %ne3A_182 = arith.xori %lt3A_177, %ne3A_181 : vector<16xi1>
    %and3A_183 = arith.andi %ne3A_182, %ne3A_174 : vector<16xi1>
    %add3A_184 = vector.broadcast %select_n3A_169 : i32 to vector<16xi32>
    %add3A_185 = arith.addi %rem3A_171, %add3A_184 : vector<16xi32>
    %select_n3A_186 = arith.select %and3A_183, %add3A_185, %rem3A_171 : vector<16xi1>, vector<16xi32>
    %add3A_187 = arith.constant 16 : i32
    %add3A_188 = vector.broadcast %add3A_187 : i32 to vector<16xi32>
    %add3A_189 = arith.addi %iota3A, %add3A_188 : vector<16xi32>
    %jit3A_190 = arith.constant 6 : i32
    %div3A_191 = vector.broadcast %jit3A_190 : i32 to vector<16xi32>
    %div3A_192 = arith.divsi %add3A_189, %div3A_191 : vector<16xi32>
    %sign3A_193 = arith.constant 0 : i32
    %sign3A_194 = vector.broadcast %sign3A_193 : i32 to vector<16xi32>
    %sign3A_195 = arith.cmpi sgt, %add3A_189, %sign3A_194 : vector<16xi32>
    %sign3A_196 = arith.extui %sign3A_195 : vector<16xi1> to vector<16xi32>
    %sign3A_197 = arith.constant 0 : i32
    %sign3A_198 = vector.broadcast %sign3A_197 : i32 to vector<16xi32>
    %sign3A_199 = arith.cmpi slt, %add3A_189, %sign3A_198 : vector<16xi32>
    %sign3A_200 = arith.extui %sign3A_199 : vector<16xi1> to vector<16xi32>
    %sign3A_201 = arith.subi %sign3A_196, %sign3A_200 : vector<16xi32>
    %sign3A_202 = arith.constant 0 : i32
    %sign3A_203 = arith.cmpi sgt, %jit3A_190, %sign3A_202 : i32
    %sign3A_204 = arith.extui %sign3A_203 : i1 to i32
    %sign3A_205 = arith.constant 0 : i32
    %sign3A_206 = arith.cmpi slt, %jit3A_190, %sign3A_205 : i32
    %sign3A_207 = arith.extui %sign3A_206 : i1 to i32
    %sign3A_208 = arith.subi %sign3A_204, %sign3A_207 : i32
    %ne3A_209 = vector.broadcast %sign3A_208 : i32 to vector<16xi32>
    %ne3A_210 = arith.cmpi ne, %sign3A_201, %ne3A_209 : vector<16xi32>
    %rem3A_211 = vector.broadcast %jit3A_190 : i32 to vector<16xi32>
    %rem3A_212 = arith.remsi %add3A_189, %rem3A_211 : vector<16xi32>
    %ne3A_213 = arith.constant 0 : i32
    %ne3A_214 = vector.broadcast %ne3A_213 : i32 to vector<16xi32>
    %ne3A_215 = arith.cmpi ne, %rem3A_212, %ne3A_214 : vector<16xi32>
    %and3A_216 = arith.andi %ne3A_210, %ne3A_215 : vector<16xi1>
    %sub3A_217 = arith.constant 1 : i32
    %sub3A_218 = vector.broadcast %sub3A_217 : i32 to vector<16xi32>
    %sub3A_219 = arith.subi %div3A_192, %sub3A_218 : vector<16xi32>
    %select_n3A_220 = arith.select %and3A_216, %sub3A_219, %div3A_192 : vector<16xi1>, vector<16xi32>
    %jit3A_221 = arith.constant 6 : i32
    %eq3A_222 = arith.constant 0 : i32
    %eq3A_223 = arith.cmpi eq, %jit3A_221, %eq3A_222 : i32
    %jit3A_224 = arith.constant 1 : i32
    %select_n3A_225 = arith.select %eq3A_223, %jit3A_224, %jit3A_221 : i32
    %rem3A_226 = vector.broadcast %select_n3A_225 : i32 to vector<16xi32>
    %rem3A_227 = arith.remsi %add3A_189, %rem3A_226 : vector<16xi32>
    %ne3A_228 = arith.constant 0 : i32
    %ne3A_229 = vector.broadcast %ne3A_228 : i32 to vector<16xi32>
    %ne3A_230 = arith.cmpi ne, %rem3A_227, %ne3A_229 : vector<16xi32>
    %lt3A_231 = arith.constant 0 : i32
    %lt3A_232 = vector.broadcast %lt3A_231 : i32 to vector<16xi32>
    %lt3A_233 = arith.cmpi slt, %rem3A_227, %lt3A_232 : vector<16xi32>
    %lt3A_234 = arith.constant 0 : i32
    %lt3A_235 = arith.cmpi slt, %select_n3A_225, %lt3A_234 : i32
    %ne3A_236 = vector.broadcast %lt3A_235 : i1 to vector<16xi1>
    %ne3A_237 = vector.broadcast %ne3A_236 : vector<16xi1> to vector<16xi1>
    %ne3A_238 = arith.xori %lt3A_233, %ne3A_237 : vector<16xi1>
    %and3A_239 = arith.andi %ne3A_238, %ne3A_230 : vector<16xi1>
    %add3A_240 = vector.broadcast %select_n3A_225 : i32 to vector<16xi32>
    %add3A_241 = arith.addi %rem3A_227, %add3A_240 : vector<16xi32>
    %select_n3A_242 = arith.select %and3A_239, %add3A_241, %rem3A_227 : vector<16xi1>, vector<16xi32>
    %add3A_243 = arith.constant 32 : i32
    %add3A_244 = vector.broadcast %add3A_243 : i32 to vector<16xi32>
    %add3A_245 = arith.addi %iota3A, %add3A_244 : vector<16xi32>
    %jit3A_246 = arith.constant 6 : i32
    %div3A_247 = vector.broadcast %jit3A_246 : i32 to vector<16xi32>
    %div3A_248 = arith.divsi %add3A_245, %div3A_247 : vector<16xi32>
    %sign3A_249 = arith.constant 0 : i32
    %sign3A_250 = vector.broadcast %sign3A_249 : i32 to vector<16xi32>
    %sign3A_251 = arith.cmpi sgt, %add3A_245, %sign3A_250 : vector<16xi32>
    %sign3A_252 = arith.extui %sign3A_251 : vector<16xi1> to vector<16xi32>
    %sign3A_253 = arith.constant 0 : i32
    %sign3A_254 = vector.broadcast %sign3A_253 : i32 to vector<16xi32>
    %sign3A_255 = arith.cmpi slt, %add3A_245, %sign3A_254 : vector<16xi32>
    %sign3A_256 = arith.extui %sign3A_255 : vector<16xi1> to vector<16xi32>
    %sign3A_257 = arith.subi %sign3A_252, %sign3A_256 : vector<16xi32>
    %sign3A_258 = arith.constant 0 : i32
    %sign3A_259 = arith.cmpi sgt, %jit3A_246, %sign3A_258 : i32
    %sign3A_260 = arith.extui %sign3A_259 : i1 to i32
    %sign3A_261 = arith.constant 0 : i32
    %sign3A_262 = arith.cmpi slt, %jit3A_246, %sign3A_261 : i32
    %sign3A_263 = arith.extui %sign3A_262 : i1 to i32
    %sign3A_264 = arith.subi %sign3A_260, %sign3A_263 : i32
    %ne3A_265 = vector.broadcast %sign3A_264 : i32 to vector<16xi32>
    %ne3A_266 = arith.cmpi ne, %sign3A_257, %ne3A_265 : vector<16xi32>
    %rem3A_267 = vector.broadcast %jit3A_246 : i32 to vector<16xi32>
    %rem3A_268 = arith.remsi %add3A_245, %rem3A_267 : vector<16xi32>
    %ne3A_269 = arith.constant 0 : i32
    %ne3A_270 = vector.broadcast %ne3A_269 : i32 to vector<16xi32>
    %ne3A_271 = arith.cmpi ne, %rem3A_268, %ne3A_270 : vector<16xi32>
    %and3A_272 = arith.andi %ne3A_266, %ne3A_271 : vector<16xi1>
    %sub3A_273 = arith.constant 1 : i32
    %sub3A_274 = vector.broadcast %sub3A_273 : i32 to vector<16xi32>
    %sub3A_275 = arith.subi %div3A_248, %sub3A_274 : vector<16xi32>
    %select_n3A_276 = arith.select %and3A_272, %sub3A_275, %div3A_248 : vector<16xi1>, vector<16xi32>
    %jit3A_277 = arith.constant 6 : i32
    %eq3A_278 = arith.constant 0 : i32
    %eq3A_279 = arith.cmpi eq, %jit3A_277, %eq3A_278 : i32
    %jit3A_280 = arith.constant 1 : i32
    %select_n3A_281 = arith.select %eq3A_279, %jit3A_280, %jit3A_277 : i32
    %rem3A_282 = vector.broadcast %select_n3A_281 : i32 to vector<16xi32>
    %rem3A_283 = arith.remsi %add3A_245, %rem3A_282 : vector<16xi32>
    %ne3A_284 = arith.constant 0 : i32
    %ne3A_285 = vector.broadcast %ne3A_284 : i32 to vector<16xi32>
    %ne3A_286 = arith.cmpi ne, %rem3A_283, %ne3A_285 : vector<16xi32>
    %lt3A_287 = arith.constant 0 : i32
    %lt3A_288 = vector.broadcast %lt3A_287 : i32 to vector<16xi32>
    %lt3A_289 = arith.cmpi slt, %rem3A_283, %lt3A_288 : vector<16xi32>
    %lt3A_290 = arith.constant 0 : i32
    %lt3A_291 = arith.cmpi slt, %select_n3A_281, %lt3A_290 : i32
    %ne3A_292 = vector.broadcast %lt3A_291 : i1 to vector<16xi1>
    %ne3A_293 = vector.broadcast %ne3A_292 : vector<16xi1> to vector<16xi1>
    %ne3A_294 = arith.xori %lt3A_289, %ne3A_293 : vector<16xi1>
    %and3A_295 = arith.andi %ne3A_294, %ne3A_286 : vector<16xi1>
    %add3A_296 = vector.broadcast %select_n3A_281 : i32 to vector<16xi32>
    %add3A_297 = arith.addi %rem3A_283, %add3A_296 : vector<16xi32>
    %select_n3A_298 = arith.select %and3A_295, %add3A_297, %rem3A_283 : vector<16xi1>, vector<16xi32>
    %scan3A_299 = arith.constant 0 : i32
    %scan3A_300 = arith.constant 128 : i32
    %scan3A_301 = arith.addi %scan3A_299, %scan3A_300 : i32
    %scan3A_302 = arith.constant 4 : i32
    %scan3A_303 = scf.for %scan3A_383 = %scan3A_299 to %scan3A_301 step %scan3A_302 iter_args(%scan3A_384 = %select_n3A_130) -> (vector<16xi32>)  : i32 {
      %add3A_385 = arith.constant 512 : i32
      %add3A_386 = vector.broadcast %add3A_385 : i32 to vector<16xi32>
      %add3A_387 = arith.addi %scan3A_384, %add3A_386 : vector<16xi32>
      %gather3A = tpu.vector_load_idx %arg12[%add3A_387] : memref<2048xi32, #tpu.memory_space<vmem>>[vector<16xi32>], vector<16xi32>,
      %add3A_388 = arith.constant 8 : i32
      %add3A_389 = vector.broadcast %add3A_388 : i32 to vector<16xi32>
      %add3A_390 = arith.addi %gather3A, %add3A_389 : vector<16xi32>
      %gather3A_391 = tpu.vector_load_idx %arg14[%add3A_390, %select_n3A_99] : memref<44x8xf32, #tpu.memory_space<vmem>>[vector<16xi32>, vector<16xi32>], vector<16xf32>,
      %add3A_392 = arith.constant 6 : i32
      %add3A_393 = vector.broadcast %add3A_392 : i32 to vector<16xi32>
      %add3A_394 = arith.addi %select_n3A_99, %add3A_393 : vector<16xi32>
      tpu.vector_store_idx %arg17[%scan3A_384, %add3A_394], %gather3A_391 : memref<512x20xf32, #tpu.memory_space<vmem>>[vector<16xi32>, vector<16xi32>], vector<16xf32>,
      %add3A_395 = arith.constant 4 : i32
      %add3A_396 = vector.broadcast %add3A_395 : i32 to vector<16xi32>
      %add3A_397 = arith.addi %scan3A_384, %add3A_396 : vector<16xi32>
      %scan3A_398 = arith.constant 1 : i32
      %scan3A_399 = arith.addi %scan3A_383, %scan3A_398 : i32
      %add3A_400 = arith.constant 512 : i32
      %add3A_401 = vector.broadcast %add3A_400 : i32 to vector<16xi32>
      %add3A_402 = arith.addi %add3A_397, %add3A_401 : vector<16xi32>
      %gather3A_403 = tpu.vector_load_idx %arg12[%add3A_402] : memref<2048xi32, #tpu.memory_space<vmem>>[vector<16xi32>], vector<16xi32>,
      %add3A_404 = arith.constant 8 : i32
      %add3A_405 = vector.broadcast %add3A_404 : i32 to vector<16xi32>
      %add3A_406 = arith.addi %gather3A_403, %add3A_405 : vector<16xi32>
      %gather3A_407 = tpu.vector_load_idx %arg14[%add3A_406, %select_n3A_99] : memref<44x8xf32, #tpu.memory_space<vmem>>[vector<16xi32>, vector<16xi32>], vector<16xf32>,
      %add3A_408 = arith.constant 6 : i32
      %add3A_409 = vector.broadcast %add3A_408 : i32 to vector<16xi32>
      %add3A_410 = arith.addi %select_n3A_99, %add3A_409 : vector<16xi32>
      tpu.vector_store_idx %arg17[%add3A_397, %add3A_410], %gather3A_407 : memref<512x20xf32, #tpu.memory_space<vmem>>[vector<16xi32>, vector<16xi32>], vector<16xf32>,
      %add3A_411 = arith.constant 4 : i32
      %add3A_412 = vector.broadcast %add3A_411 : i32 to vector<16xi32>
      %add3A_413 = arith.addi %add3A_397, %add3A_412 : vector<16xi32>
      %scan3A_414 = arith.constant 2 : i32
      %scan3A_415 = arith.addi %scan3A_383, %scan3A_414 : i32
      %add3A_416 = arith.constant 512 : i32
      %add3A_417 = vector.broadcast %add3A_416 : i32 to vector<16xi32>
      %add3A_418 = arith.addi %add3A_413, %add3A_417 : vector<16xi32>
      %gather3A_419 = tpu.vector_load_idx %arg12[%add3A_418] : memref<2048xi32, #tpu.memory_space<vmem>>[vector<16xi32>], vector<16xi32>,
      %add3A_420 = arith.constant 8 : i32
      %add3A_421 = vector.broadcast %add3A_420 : i32 to vector<16xi32>
      %add3A_422 = arith.addi %gather3A_419, %add3A_421 : vector<16xi32>
      %gather3A_423 = tpu.vector_load_idx %arg14[%add3A_422, %select_n3A_99] : memref<44x8xf32, #tpu.memory_space<vmem>>[vector<16xi32>, vector<16xi32>], vector<16xf32>,
      %add3A_424 = arith.constant 6 : i32
      %add3A_425 = vector.broadcast %add3A_424 : i32 to vector<16xi32>
      %add3A_426 = arith.addi %select_n3A_99, %add3A_425 : vector<16xi32>
      tpu.vector_store_idx %arg17[%add3A_413, %add3A_426], %gather3A_423 : memref<512x20xf32, #tpu.memory_space<vmem>>[vector<16xi32>, vector<16xi32>], vector<16xf32>,
      %add3A_427 = arith.constant 4 : i32
      %add3A_428 = vector.broadcast %add3A_427 : i32 to vector<16xi32>
      %add3A_429 = arith.addi %add3A_413, %add3A_428 : vector<16xi32>
      %scan3A_430 = arith.constant 3 : i32
      %scan3A_431 = arith.addi %scan3A_383, %scan3A_430 : i32
      %add3A_432 = arith.constant 512 : i32
      %add3A_433 = vector.broadcast %add3A_432 : i32 to vector<16xi32>
      %add3A_434 = arith.addi %add3A_429, %add3A_433 : vector<16xi32>
      %gather3A_435 = tpu.vector_load_idx %arg12[%add3A_434] : memref<2048xi32, #tpu.memory_space<vmem>>[vector<16xi32>], vector<16xi32>,
      %add3A_436 = arith.constant 8 : i32
      %add3A_437 = vector.broadcast %add3A_436 : i32 to vector<16xi32>
      %add3A_438 = arith.addi %gather3A_435, %add3A_437 : vector<16xi32>
      %gather3A_439 = tpu.vector_load_idx %arg14[%add3A_438, %select_n3A_99] : memref<44x8xf32, #tpu.memory_space<vmem>>[vector<16xi32>, vector<16xi32>], vector<16xf32>,
      %add3A_440 = arith.constant 6 : i32
      %add3A_441 = vector.broadcast %add3A_440 : i32 to vector<16xi32>
      %add3A_442 = arith.addi %select_n3A_99, %add3A_441 : vector<16xi32>
      tpu.vector_store_idx %arg17[%add3A_429, %add3A_442], %gather3A_439 : memref<512x20xf32, #tpu.memory_space<vmem>>[vector<16xi32>, vector<16xi32>], vector<16xf32>,
      %add3A_443 = arith.constant 4 : i32
      %add3A_444 = vector.broadcast %add3A_443 : i32 to vector<16xi32>
      %add3A_445 = arith.addi %add3A_429, %add3A_444 : vector<16xi32>
      scf.yield %add3A_445 : vector<16xi32>
    }
    %scan3A_304 = arith.constant 128 : i32
    %mul3A_305 = arith.constant 0 : i32
    %mul3A_306 = vector.broadcast %mul3A_305 : i32 to vector<16xi32>
    %mul3A_307 = arith.muli %iota3A, %mul3A_306 : vector<16xi32>
    %scan3A_308 = arith.constant 0 : i32
    %scan3A_309 = arith.constant 64 : i32
    %scan3A_310 = arith.addi %scan3A_308, %scan3A_309 : i32
    %scan3A_311 = arith.constant 2 : i32
    %scan3A_312 = scf.for %scan3A_383 = %scan3A_308 to %scan3A_310 step %scan3A_311 iter_args(%scan3A_384 = %mul3A_307) -> (vector<16xi32>)  : i32 {
      %add3A_385 = arith.addi %scan3A_384, %select_n3A_164 : vector<16xi32>
      %add3A_386 = arith.constant 1024 : i32
      %add3A_387 = vector.broadcast %add3A_386 : i32 to vector<16xi32>
      %add3A_388 = arith.addi %add3A_385, %add3A_387 : vector<16xi32>
      %gather3A = tpu.vector_load_idx %arg12[%add3A_388] : memref<2048xi32, #tpu.memory_space<vmem>>[vector<16xi32>], vector<16xi32>,
      %add3A_389 = arith.constant 12 : i32
      %add3A_390 = vector.broadcast %add3A_389 : i32 to vector<16xi32>
      %add3A_391 = arith.addi %gather3A, %add3A_390 : vector<16xi32>
      %gather3A_392 = tpu.vector_load_idx %arg14[%add3A_391, %select_n3A_186] : memref<44x8xf32, #tpu.memory_space<vmem>>[vector<16xi32>, vector<16xi32>], vector<16xf32>,
      %add3A_393 = arith.constant 6 : i32
      %add3A_394 = vector.broadcast %add3A_393 : i32 to vector<16xi32>
      %add3A_395 = arith.addi %select_n3A_186, %add3A_394 : vector<16xi32>
      %add3A_396 = arith.constant 4 : i32
      %add3A_397 = vector.broadcast %add3A_396 : i32 to vector<16xi32>
      %add3A_398 = arith.addi %add3A_395, %add3A_397 : vector<16xi32>
      tpu.vector_store_idx %arg17[%add3A_385, %add3A_398], %gather3A_392 : memref<512x20xf32, #tpu.memory_space<vmem>>[vector<16xi32>, vector<16xi32>], vector<16xf32>,
      %add3A_399 = arith.addi %scan3A_384, %select_n3A_220 : vector<16xi32>
      %add3A_400 = arith.constant 1024 : i32
      %add3A_401 = vector.broadcast %add3A_400 : i32 to vector<16xi32>
      %add3A_402 = arith.addi %add3A_399, %add3A_401 : vector<16xi32>
      %gather3A_403 = tpu.vector_load_idx %arg12[%add3A_402] : memref<2048xi32, #tpu.memory_space<vmem>>[vector<16xi32>], vector<16xi32>,
      %add3A_404 = arith.constant 12 : i32
      %add3A_405 = vector.broadcast %add3A_404 : i32 to vector<16xi32>
      %add3A_406 = arith.addi %gather3A_403, %add3A_405 : vector<16xi32>
      %gather3A_407 = tpu.vector_load_idx %arg14[%add3A_406, %select_n3A_242] : memref<44x8xf32, #tpu.memory_space<vmem>>[vector<16xi32>, vector<16xi32>], vector<16xf32>,
      %add3A_408 = arith.constant 6 : i32
      %add3A_409 = vector.broadcast %add3A_408 : i32 to vector<16xi32>
      %add3A_410 = arith.addi %select_n3A_242, %add3A_409 : vector<16xi32>
      %add3A_411 = arith.constant 4 : i32
      %add3A_412 = vector.broadcast %add3A_411 : i32 to vector<16xi32>
      %add3A_413 = arith.addi %add3A_410, %add3A_412 : vector<16xi32>
      tpu.vector_store_idx %arg17[%add3A_399, %add3A_413], %gather3A_407 : memref<512x20xf32, #tpu.memory_space<vmem>>[vector<16xi32>, vector<16xi32>], vector<16xf32>,
      %add3A_414 = arith.addi %scan3A_384, %select_n3A_276 : vector<16xi32>
      %add3A_415 = arith.constant 1024 : i32
      %add3A_416 = vector.broadcast %add3A_415 : i32 to vector<16xi32>
      %add3A_417 = arith.addi %add3A_414, %add3A_416 : vector<16xi32>
      %gather3A_418 = tpu.vector_load_idx %arg12[%add3A_417] : memref<2048xi32, #tpu.memory_space<vmem>>[vector<16xi32>], vector<16xi32>,
      %add3A_419 = arith.constant 12 : i32
      %add3A_420 = vector.broadcast %add3A_419 : i32 to vector<16xi32>
      %add3A_421 = arith.addi %gather3A_418, %add3A_420 : vector<16xi32>
      %gather3A_422 = tpu.vector_load_idx %arg14[%add3A_421, %select_n3A_298] : memref<44x8xf32, #tpu.memory_space<vmem>>[vector<16xi32>, vector<16xi32>], vector<16xf32>,
      %add3A_423 = arith.constant 6 : i32
      %add3A_424 = vector.broadcast %add3A_423 : i32 to vector<16xi32>
      %add3A_425 = arith.addi %select_n3A_298, %add3A_424 : vector<16xi32>
      %add3A_426 = arith.constant 4 : i32
      %add3A_427 = vector.broadcast %add3A_426 : i32 to vector<16xi32>
      %add3A_428 = arith.addi %add3A_425, %add3A_427 : vector<16xi32>
      tpu.vector_store_idx %arg17[%add3A_414, %add3A_428], %gather3A_422 : memref<512x20xf32, #tpu.memory_space<vmem>>[vector<16xi32>, vector<16xi32>], vector<16xf32>,
      %add3A_429 = arith.constant 8 : i32
      %add3A_430 = vector.broadcast %add3A_429 : i32 to vector<16xi32>
      %add3A_431 = arith.addi %scan3A_384, %add3A_430 : vector<16xi32>
      %scan3A_432 = arith.constant 1 : i32
      %scan3A_433 = arith.addi %scan3A_383, %scan3A_432 : i32
      %add3A_434 = arith.addi %add3A_431, %select_n3A_164 : vector<16xi32>
      %add3A_435 = arith.constant 1024 : i32
      %add3A_436 = vector.broadcast %add3A_435 : i32 to vector<16xi32>
      %add3A_437 = arith.addi %add3A_434, %add3A_436 : vector<16xi32>
      %gather3A_438 = tpu.vector_load_idx %arg12[%add3A_437] : memref<2048xi32, #tpu.memory_space<vmem>>[vector<16xi32>], vector<16xi32>,
      %add3A_439 = arith.constant 12 : i32
      %add3A_440 = vector.broadcast %add3A_439 : i32 to vector<16xi32>
      %add3A_441 = arith.addi %gather3A_438, %add3A_440 : vector<16xi32>
      %gather3A_442 = tpu.vector_load_idx %arg14[%add3A_441, %select_n3A_186] : memref<44x8xf32, #tpu.memory_space<vmem>>[vector<16xi32>, vector<16xi32>], vector<16xf32>,
      %add3A_443 = arith.constant 6 : i32
      %add3A_444 = vector.broadcast %add3A_443 : i32 to vector<16xi32>
      %add3A_445 = arith.addi %select_n3A_186, %add3A_444 : vector<16xi32>
      %add3A_446 = arith.constant 4 : i32
      %add3A_447 = vector.broadcast %add3A_446 : i32 to vector<16xi32>
      %add3A_448 = arith.addi %add3A_445, %add3A_447 : vector<16xi32>
      tpu.vector_store_idx %arg17[%add3A_434, %add3A_448], %gather3A_442 : memref<512x20xf32, #tpu.memory_space<vmem>>[vector<16xi32>, vector<16xi32>], vector<16xf32>,
      %add3A_449 = arith.addi %add3A_431, %select_n3A_220 : vector<16xi32>
      %add3A_450 = arith.constant 1024 : i32
      %add3A_451 = vector.broadcast %add3A_450 : i32 to vector<16xi32>
      %add3A_452 = arith.addi %add3A_449, %add3A_451 : vector<16xi32>
      %gather3A_453 = tpu.vector_load_idx %arg12[%add3A_452] : memref<2048xi32, #tpu.memory_space<vmem>>[vector<16xi32>], vector<16xi32>,
      %add3A_454 = arith.constant 12 : i32
      %add3A_455 = vector.broadcast %add3A_454 : i32 to vector<16xi32>
      %add3A_456 = arith.addi %gather3A_453, %add3A_455 : vector<16xi32>
      %gather3A_457 = tpu.vector_load_idx %arg14[%add3A_456, %select_n3A_242] : memref<44x8xf32, #tpu.memory_space<vmem>>[vector<16xi32>, vector<16xi32>], vector<16xf32>,
      %add3A_458 = arith.constant 6 : i32
      %add3A_459 = vector.broadcast %add3A_458 : i32 to vector<16xi32>
      %add3A_460 = arith.addi %select_n3A_242, %add3A_459 : vector<16xi32>
      %add3A_461 = arith.constant 4 : i32
      %add3A_462 = vector.broadcast %add3A_461 : i32 to vector<16xi32>
      %add3A_463 = arith.addi %add3A_460, %add3A_462 : vector<16xi32>
      tpu.vector_store_idx %arg17[%add3A_449, %add3A_463], %gather3A_457 : memref<512x20xf32, #tpu.memory_space<vmem>>[vector<16xi32>, vector<16xi32>], vector<16xf32>,
      %add3A_464 = arith.addi %add3A_431, %select_n3A_276 : vector<16xi32>
      %add3A_465 = arith.constant 1024 : i32
      %add3A_466 = vector.broadcast %add3A_465 : i32 to vector<16xi32>
      %add3A_467 = arith.addi %add3A_464, %add3A_466 : vector<16xi32>
      %gather3A_468 = tpu.vector_load_idx %arg12[%add3A_467] : memref<2048xi32, #tpu.memory_space<vmem>>[vector<16xi32>], vector<16xi32>,
      %add3A_469 = arith.constant 12 : i32
      %add3A_470 = vector.broadcast %add3A_469 : i32 to vector<16xi32>
      %add3A_471 = arith.addi %gather3A_468, %add3A_470 : vector<16xi32>
      %gather3A_472 = tpu.vector_load_idx %arg14[%add3A_471, %select_n3A_298] : memref<44x8xf32, #tpu.memory_space<vmem>>[vector<16xi32>, vector<16xi32>], vector<16xf32>,
      %add3A_473 = arith.constant 6 : i32
      %add3A_474 = vector.broadcast %add3A_473 : i32 to vector<16xi32>
      %add3A_475 = arith.addi %select_n3A_298, %add3A_474 : vector<16xi32>
      %add3A_476 = arith.constant 4 : i32
      %add3A_477 = vector.broadcast %add3A_476 : i32 to vector<16xi32>
      %add3A_478 = arith.addi %add3A_475, %add3A_477 : vector<16xi32>
      tpu.vector_store_idx %arg17[%add3A_464, %add3A_478], %gather3A_472 : memref<512x20xf32, #tpu.memory_space<vmem>>[vector<16xi32>, vector<16xi32>], vector<16xf32>,
      %add3A_479 = arith.constant 8 : i32
      %add3A_480 = vector.broadcast %add3A_479 : i32 to vector<16xi32>
      %add3A_481 = arith.addi %add3A_431, %add3A_480 : vector<16xi32>
      scf.yield %add3A_481 : vector<16xi32>
    }
    %scan3A_313 = arith.constant 64 : i32
    %scan3A_314 = arith.constant 0 : i32
    %scan3A_315 = arith.constant 128 : i32
    %scan3A_316 = arith.addi %scan3A_314, %scan3A_315 : i32
    %scan3A_317 = arith.constant 4 : i32
    %scan3A_318 = scf.for %scan3A_383 = %scan3A_314 to %scan3A_316 step %scan3A_317 iter_args(%scan3A_384 = %select_n3A_130) -> (vector<16xi32>)  : i32 {
      %add3A_385 = arith.constant 1536 : i32
      %add3A_386 = vector.broadcast %add3A_385 : i32 to vector<16xi32>
      %add3A_387 = arith.addi %scan3A_384, %add3A_386 : vector<16xi32>
      %gather3A = tpu.vector_load_idx %arg12[%add3A_387] : memref<2048xi32, #tpu.memory_space<vmem>>[vector<16xi32>], vector<16xi32>,
      %add3A_388 = arith.constant 33 : i32
      %add3A_389 = vector.broadcast %add3A_388 : i32 to vector<16xi32>
      %add3A_390 = arith.addi %gather3A, %add3A_389 : vector<16xi32>
      %gather3A_391 = tpu.vector_load_idx %arg14[%add3A_390, %select_n3A_99] : memref<44x8xf32, #tpu.memory_space<vmem>>[vector<16xi32>, vector<16xi32>], vector<16xf32>,
      %add3A_392 = arith.constant 16 : i32
      %add3A_393 = vector.broadcast %add3A_392 : i32 to vector<16xi32>
      %add3A_394 = arith.addi %select_n3A_99, %add3A_393 : vector<16xi32>
      tpu.vector_store_idx %arg17[%scan3A_384, %add3A_394], %gather3A_391 : memref<512x20xf32, #tpu.memory_space<vmem>>[vector<16xi32>, vector<16xi32>], vector<16xf32>,
      %add3A_395 = arith.constant 4 : i32
      %add3A_396 = vector.broadcast %add3A_395 : i32 to vector<16xi32>
      %add3A_397 = arith.addi %scan3A_384, %add3A_396 : vector<16xi32>
      %scan3A_398 = arith.constant 1 : i32
      %scan3A_399 = arith.addi %scan3A_383, %scan3A_398 : i32
      %add3A_400 = arith.constant 1536 : i32
      %add3A_401 = vector.broadcast %add3A_400 : i32 to vector<16xi32>
      %add3A_402 = arith.addi %add3A_397, %add3A_401 : vector<16xi32>
      %gather3A_403 = tpu.vector_load_idx %arg12[%add3A_402] : memref<2048xi32, #tpu.memory_space<vmem>>[vector<16xi32>], vector<16xi32>,
      %add3A_404 = arith.constant 33 : i32
      %add3A_405 = vector.broadcast %add3A_404 : i32 to vector<16xi32>
      %add3A_406 = arith.addi %gather3A_403, %add3A_405 : vector<16xi32>
      %gather3A_407 = tpu.vector_load_idx %arg14[%add3A_406, %select_n3A_99] : memref<44x8xf32, #tpu.memory_space<vmem>>[vector<16xi32>, vector<16xi32>], vector<16xf32>,
      %add3A_408 = arith.constant 16 : i32
      %add3A_409 = vector.broadcast %add3A_408 : i32 to vector<16xi32>
      %add3A_410 = arith.addi %select_n3A_99, %add3A_409 : vector<16xi32>
      tpu.vector_store_idx %arg17[%add3A_397, %add3A_410], %gather3A_407 : memref<512x20xf32, #tpu.memory_space<vmem>>[vector<16xi32>, vector<16xi32>], vector<16xf32>,
      %add3A_411 = arith.constant 4 : i32
      %add3A_412 = vector.broadcast %add3A_411 : i32 to vector<16xi32>
      %add3A_413 = arith.addi %add3A_397, %add3A_412 : vector<16xi32>
      %scan3A_414 = arith.constant 2 : i32
      %scan3A_415 = arith.addi %scan3A_383, %scan3A_414 : i32
      %add3A_416 = arith.constant 1536 : i32
      %add3A_417 = vector.broadcast %add3A_416 : i32 to vector<16xi32>
      %add3A_418 = arith.addi %add3A_413, %add3A_417 : vector<16xi32>
      %gather3A_419 = tpu.vector_load_idx %arg12[%add3A_418] : memref<2048xi32, #tpu.memory_space<vmem>>[vector<16xi32>], vector<16xi32>,
      %add3A_420 = arith.constant 33 : i32
      %add3A_421 = vector.broadcast %add3A_420 : i32 to vector<16xi32>
      %add3A_422 = arith.addi %gather3A_419, %add3A_421 : vector<16xi32>
      %gather3A_423 = tpu.vector_load_idx %arg14[%add3A_422, %select_n3A_99] : memref<44x8xf32, #tpu.memory_space<vmem>>[vector<16xi32>, vector<16xi32>], vector<16xf32>,
      %add3A_424 = arith.constant 16 : i32
      %add3A_425 = vector.broadcast %add3A_424 : i32 to vector<16xi32>
      %add3A_426 = arith.addi %select_n3A_99, %add3A_425 : vector<16xi32>
      tpu.vector_store_idx %arg17[%add3A_413, %add3A_426], %gather3A_423 : memref<512x20xf32, #tpu.memory_space<vmem>>[vector<16xi32>, vector<16xi32>], vector<16xf32>,
      %add3A_427 = arith.constant 4 : i32
      %add3A_428 = vector.broadcast %add3A_427 : i32 to vector<16xi32>
      %add3A_429 = arith.addi %add3A_413, %add3A_428 : vector<16xi32>
      %scan3A_430 = arith.constant 3 : i32
      %scan3A_431 = arith.addi %scan3A_383, %scan3A_430 : i32
      %add3A_432 = arith.constant 1536 : i32
      %add3A_433 = vector.broadcast %add3A_432 : i32 to vector<16xi32>
      %add3A_434 = arith.addi %add3A_429, %add3A_433 : vector<16xi32>
      %gather3A_435 = tpu.vector_load_idx %arg12[%add3A_434] : memref<2048xi32, #tpu.memory_space<vmem>>[vector<16xi32>], vector<16xi32>,
      %add3A_436 = arith.constant 33 : i32
      %add3A_437 = vector.broadcast %add3A_436 : i32 to vector<16xi32>
      %add3A_438 = arith.addi %gather3A_435, %add3A_437 : vector<16xi32>
      %gather3A_439 = tpu.vector_load_idx %arg14[%add3A_438, %select_n3A_99] : memref<44x8xf32, #tpu.memory_space<vmem>>[vector<16xi32>, vector<16xi32>], vector<16xf32>,
      %add3A_440 = arith.constant 16 : i32
      %add3A_441 = vector.broadcast %add3A_440 : i32 to vector<16xi32>
      %add3A_442 = arith.addi %select_n3A_99, %add3A_441 : vector<16xi32>
      tpu.vector_store_idx %arg17[%add3A_429, %add3A_442], %gather3A_439 : memref<512x20xf32, #tpu.memory_space<vmem>>[vector<16xi32>, vector<16xi32>], vector<16xf32>,
      %add3A_443 = arith.constant 4 : i32
      %add3A_444 = vector.broadcast %add3A_443 : i32 to vector<16xi32>
      %add3A_445 = arith.addi %add3A_429, %add3A_444 : vector<16xi32>
      scf.yield %add3A_445 : vector<16xi32>
    }
    %scan3A_319 = arith.constant 128 : i32
    %dma_wait3A = arith.constant 0 : i32
    %dma_wait3A_320 = tpu.memref_slice %arg16[%dma_wait3A] : memref<3072xf32, #tpu.memory_space<vmem>> -> memref<512xf32, #tpu.memory_space<vmem>>
    %dma_wait3A_321 = arith.constant 0 : i32
    %dma_wait3A_322 = tpu.memref_slice %arg5[%dma_wait3A_321] : memref<1000001xf32, #tpu.memory_space<hbm>> -> memref<1000001xf32, #tpu.memory_space<hbm>>
    tpu.wait_indirect_dma semaphore(%arg19 : memref<!tpu.dma_semaphore, #tpu.memory_space<semaphore_mem>>) src(%dma_wait3A_322 : memref<1000001xf32, #tpu.memory_space<hbm>>) dst(%dma_wait3A_320 : memref<512xf32, #tpu.memory_space<vmem>>)
    %scan3A_323 = arith.constant 0 : i32
    %scan3A_324 = arith.constant 32 : i32
    %scan3A_325 = arith.addi %scan3A_323, %scan3A_324 : i32
    %scan3A_326 = arith.constant 4 : i32
    %scan3A_327 = scf.for %scan3A_383 = %scan3A_323 to %scan3A_325 step %scan3A_326 iter_args(%scan3A_384 = %iota3A) -> (vector<16xi32>)  : i32 {
      %mul3A_385 = arith.constant 16 : i32
      %mul3A_386 = arith.muli %scan3A_383, %mul3A_385 : i32
      %add3A_387 = arith.constant 0 : i32
      %add3A_388 = arith.addi %add3A_387, %mul3A_386 : i32
      %get3A = arith.index_cast %add3A_388 : i32 to index
      %get3A_389 = tpu.vector_load %arg16[%get3A] {strides = array<i32>} : memref<3072xf32, #tpu.memory_space<vmem>>, vector<16xf32>,
      %mul3A_390 = arith.constant 0 : i32
      %mul3A_391 = vector.broadcast %mul3A_390 : i32 to vector<16xi32>
      %mul3A_392 = arith.muli %iota3A, %mul3A_391 : vector<16xi32>
      %add3A_393 = arith.constant 0 : i32
      %add3A_394 = vector.broadcast %add3A_393 : i32 to vector<16xi32>
      %add3A_395 = arith.addi %mul3A_392, %add3A_394 : vector<16xi32>
      tpu.vector_store_idx %arg17[%scan3A_384, %add3A_395], %get3A_389 : memref<512x20xf32, #tpu.memory_space<vmem>>[vector<16xi32>, vector<16xi32>], vector<16xf32>,
      %add3A_396 = arith.constant 16 : i32
      %add3A_397 = vector.broadcast %add3A_396 : i32 to vector<16xi32>
      %add3A_398 = arith.addi %scan3A_384, %add3A_397 : vector<16xi32>
      %scan3A_399 = arith.constant 1 : i32
      %scan3A_400 = arith.addi %scan3A_383, %scan3A_399 : i32
      %mul3A_401 = arith.constant 16 : i32
      %mul3A_402 = arith.muli %scan3A_400, %mul3A_401 : i32
      %add3A_403 = arith.constant 0 : i32
      %add3A_404 = arith.addi %add3A_403, %mul3A_402 : i32
      %get3A_405 = arith.index_cast %add3A_404 : i32 to index
      %get3A_406 = tpu.vector_load %arg16[%get3A_405] {strides = array<i32>} : memref<3072xf32, #tpu.memory_space<vmem>>, vector<16xf32>,
      %mul3A_407 = arith.constant 0 : i32
      %mul3A_408 = vector.broadcast %mul3A_407 : i32 to vector<16xi32>
      %mul3A_409 = arith.muli %iota3A, %mul3A_408 : vector<16xi32>
      %add3A_410 = arith.constant 0 : i32
      %add3A_411 = vector.broadcast %add3A_410 : i32 to vector<16xi32>
      %add3A_412 = arith.addi %mul3A_409, %add3A_411 : vector<16xi32>
      tpu.vector_store_idx %arg17[%add3A_398, %add3A_412], %get3A_406 : memref<512x20xf32, #tpu.memory_space<vmem>>[vector<16xi32>, vector<16xi32>], vector<16xf32>,
      %add3A_413 = arith.constant 16 : i32
      %add3A_414 = vector.broadcast %add3A_413 : i32 to vector<16xi32>
      %add3A_415 = arith.addi %add3A_398, %add3A_414 : vector<16xi32>
      %scan3A_416 = arith.constant 2 : i32
      %scan3A_417 = arith.addi %scan3A_383, %scan3A_416 : i32
      %mul3A_418 = arith.constant 16 : i32
      %mul3A_419 = arith.muli %scan3A_417, %mul3A_418 : i32
      %add3A_420 = arith.constant 0 : i32
      %add3A_421 = arith.addi %add3A_420, %mul3A_419 : i32
      %get3A_422 = arith.index_cast %add3A_421 : i32 to index
      %get3A_423 = tpu.vector_load %arg16[%get3A_422] {strides = array<i32>} : memref<3072xf32, #tpu.memory_space<vmem>>, vector<16xf32>,
      %mul3A_424 = arith.constant 0 : i32
      %mul3A_425 = vector.broadcast %mul3A_424 : i32 to vector<16xi32>
      %mul3A_426 = arith.muli %iota3A, %mul3A_425 : vector<16xi32>
      %add3A_427 = arith.constant 0 : i32
      %add3A_428 = vector.broadcast %add3A_427 : i32 to vector<16xi32>
      %add3A_429 = arith.addi %mul3A_426, %add3A_428 : vector<16xi32>
      tpu.vector_store_idx %arg17[%add3A_415, %add3A_429], %get3A_423 : memref<512x20xf32, #tpu.memory_space<vmem>>[vector<16xi32>, vector<16xi32>], vector<16xf32>,
      %add3A_430 = arith.constant 16 : i32
      %add3A_431 = vector.broadcast %add3A_430 : i32 to vector<16xi32>
      %add3A_432 = arith.addi %add3A_415, %add3A_431 : vector<16xi32>
      %scan3A_433 = arith.constant 3 : i32
      %scan3A_434 = arith.addi %scan3A_383, %scan3A_433 : i32
      %mul3A_435 = arith.constant 16 : i32
      %mul3A_436 = arith.muli %scan3A_434, %mul3A_435 : i32
      %add3A_437 = arith.constant 0 : i32
      %add3A_438 = arith.addi %add3A_437, %mul3A_436 : i32
      %get3A_439 = arith.index_cast %add3A_438 : i32 to index
      %get3A_440 = tpu.vector_load %arg16[%get3A_439] {strides = array<i32>} : memref<3072xf32, #tpu.memory_space<vmem>>, vector<16xf32>,
      %mul3A_441 = arith.constant 0 : i32
      %mul3A_442 = vector.broadcast %mul3A_441 : i32 to vector<16xi32>
      %mul3A_443 = arith.muli %iota3A, %mul3A_442 : vector<16xi32>
      %add3A_444 = arith.constant 0 : i32
      %add3A_445 = vector.broadcast %add3A_444 : i32 to vector<16xi32>
      %add3A_446 = arith.addi %mul3A_443, %add3A_445 : vector<16xi32>
      tpu.vector_store_idx %arg17[%add3A_432, %add3A_446], %get3A_440 : memref<512x20xf32, #tpu.memory_space<vmem>>[vector<16xi32>, vector<16xi32>], vector<16xf32>,
      %add3A_447 = arith.constant 16 : i32
      %add3A_448 = vector.broadcast %add3A_447 : i32 to vector<16xi32>
      %add3A_449 = arith.addi %add3A_432, %add3A_448 : vector<16xi32>
      scf.yield %add3A_449 : vector<16xi32>
    }
    %scan3A_328 = arith.constant 32 : i32
    %dma_wait3A_329 = arith.constant 512 : i32
    %dma_wait3A_330 = tpu.memref_slice %arg16[%dma_wait3A_329] : memref<3072xf32, #tpu.memory_space<vmem>> -> memref<512xf32, #tpu.memory_space<vmem>>
    %dma_wait3A_331 = arith.constant 0 : i32
    %dma_wait3A_332 = tpu.memref_slice %arg6[%dma_wait3A_331] : memref<1000001xf32, #tpu.memory_space<hbm>> -> memref<1000001xf32, #tpu.memory_space<hbm>>
    tpu.wait_indirect_dma semaphore(%arg19 : memref<!tpu.dma_semaphore, #tpu.memory_space<semaphore_mem>>) src(%dma_wait3A_332 : memref<1000001xf32, #tpu.memory_space<hbm>>) dst(%dma_wait3A_330 : memref<512xf32, #tpu.memory_space<vmem>>)
    %scan3A_333 = arith.constant 0 : i32
    %scan3A_334 = arith.constant 32 : i32
    %scan3A_335 = arith.addi %scan3A_333, %scan3A_334 : i32
    %scan3A_336 = arith.constant 4 : i32
    %scan3A_337 = scf.for %scan3A_383 = %scan3A_333 to %scan3A_335 step %scan3A_336 iter_args(%scan3A_384 = %iota3A) -> (vector<16xi32>)  : i32 {
      %mul3A_385 = arith.constant 16 : i32
      %mul3A_386 = arith.muli %scan3A_383, %mul3A_385 : i32
      %add3A_387 = arith.constant 512 : i32
      %add3A_388 = arith.addi %add3A_387, %mul3A_386 : i32
      %get3A = arith.index_cast %add3A_388 : i32 to index
      %get3A_389 = tpu.vector_load %arg16[%get3A] {strides = array<i32>} : memref<3072xf32, #tpu.memory_space<vmem>>, vector<16xf32>,
      %mul3A_390 = arith.constant 0 : i32
      %mul3A_391 = vector.broadcast %mul3A_390 : i32 to vector<16xi32>
      %mul3A_392 = arith.muli %iota3A, %mul3A_391 : vector<16xi32>
      %add3A_393 = arith.constant 1 : i32
      %add3A_394 = vector.broadcast %add3A_393 : i32 to vector<16xi32>
      %add3A_395 = arith.addi %mul3A_392, %add3A_394 : vector<16xi32>
      tpu.vector_store_idx %arg17[%scan3A_384, %add3A_395], %get3A_389 : memref<512x20xf32, #tpu.memory_space<vmem>>[vector<16xi32>, vector<16xi32>], vector<16xf32>,
      %add3A_396 = arith.constant 16 : i32
      %add3A_397 = vector.broadcast %add3A_396 : i32 to vector<16xi32>
      %add3A_398 = arith.addi %scan3A_384, %add3A_397 : vector<16xi32>
      %scan3A_399 = arith.constant 1 : i32
      %scan3A_400 = arith.addi %scan3A_383, %scan3A_399 : i32
      %mul3A_401 = arith.constant 16 : i32
      %mul3A_402 = arith.muli %scan3A_400, %mul3A_401 : i32
      %add3A_403 = arith.constant 512 : i32
      %add3A_404 = arith.addi %add3A_403, %mul3A_402 : i32
      %get3A_405 = arith.index_cast %add3A_404 : i32 to index
      %get3A_406 = tpu.vector_load %arg16[%get3A_405] {strides = array<i32>} : memref<3072xf32, #tpu.memory_space<vmem>>, vector<16xf32>,
      %mul3A_407 = arith.constant 0 : i32
      %mul3A_408 = vector.broadcast %mul3A_407 : i32 to vector<16xi32>
      %mul3A_409 = arith.muli %iota3A, %mul3A_408 : vector<16xi32>
      %add3A_410 = arith.constant 1 : i32
      %add3A_411 = vector.broadcast %add3A_410 : i32 to vector<16xi32>
      %add3A_412 = arith.addi %mul3A_409, %add3A_411 : vector<16xi32>
      tpu.vector_store_idx %arg17[%add3A_398, %add3A_412], %get3A_406 : memref<512x20xf32, #tpu.memory_space<vmem>>[vector<16xi32>, vector<16xi32>], vector<16xf32>,
      %add3A_413 = arith.constant 16 : i32
      %add3A_414 = vector.broadcast %add3A_413 : i32 to vector<16xi32>
      %add3A_415 = arith.addi %add3A_398, %add3A_414 : vector<16xi32>
      %scan3A_416 = arith.constant 2 : i32
      %scan3A_417 = arith.addi %scan3A_383, %scan3A_416 : i32
      %mul3A_418 = arith.constant 16 : i32
      %mul3A_419 = arith.muli %scan3A_417, %mul3A_418 : i32
      %add3A_420 = arith.constant 512 : i32
      %add3A_421 = arith.addi %add3A_420, %mul3A_419 : i32
      %get3A_422 = arith.index_cast %add3A_421 : i32 to index
      %get3A_423 = tpu.vector_load %arg16[%get3A_422] {strides = array<i32>} : memref<3072xf32, #tpu.memory_space<vmem>>, vector<16xf32>,
      %mul3A_424 = arith.constant 0 : i32
      %mul3A_425 = vector.broadcast %mul3A_424 : i32 to vector<16xi32>
      %mul3A_426 = arith.muli %iota3A, %mul3A_425 : vector<16xi32>
      %add3A_427 = arith.constant 1 : i32
      %add3A_428 = vector.broadcast %add3A_427 : i32 to vector<16xi32>
      %add3A_429 = arith.addi %mul3A_426, %add3A_428 : vector<16xi32>
      tpu.vector_store_idx %arg17[%add3A_415, %add3A_429], %get3A_423 : memref<512x20xf32, #tpu.memory_space<vmem>>[vector<16xi32>, vector<16xi32>], vector<16xf32>,
      %add3A_430 = arith.constant 16 : i32
      %add3A_431 = vector.broadcast %add3A_430 : i32 to vector<16xi32>
      %add3A_432 = arith.addi %add3A_415, %add3A_431 : vector<16xi32>
      %scan3A_433 = arith.constant 3 : i32
      %scan3A_434 = arith.addi %scan3A_383, %scan3A_433 : i32
      %mul3A_435 = arith.constant 16 : i32
      %mul3A_436 = arith.muli %scan3A_434, %mul3A_435 : i32
      %add3A_437 = arith.constant 512 : i32
      %add3A_438 = arith.addi %add3A_437, %mul3A_436 : i32
      %get3A_439 = arith.index_cast %add3A_438 : i32 to index
      %get3A_440 = tpu.vector_load %arg16[%get3A_439] {strides = array<i32>} : memref<3072xf32, #tpu.memory_space<vmem>>, vector<16xf32>,
      %mul3A_441 = arith.constant 0 : i32
      %mul3A_442 = vector.broadcast %mul3A_441 : i32 to vector<16xi32>
      %mul3A_443 = arith.muli %iota3A, %mul3A_442 : vector<16xi32>
      %add3A_444 = arith.constant 1 : i32
      %add3A_445 = vector.broadcast %add3A_444 : i32 to vector<16xi32>
      %add3A_446 = arith.addi %mul3A_443, %add3A_445 : vector<16xi32>
      tpu.vector_store_idx %arg17[%add3A_432, %add3A_446], %get3A_440 : memref<512x20xf32, #tpu.memory_space<vmem>>[vector<16xi32>, vector<16xi32>], vector<16xf32>,
      %add3A_447 = arith.constant 16 : i32
      %add3A_448 = vector.broadcast %add3A_447 : i32 to vector<16xi32>
      %add3A_449 = arith.addi %add3A_432, %add3A_448 : vector<16xi32>
      scf.yield %add3A_449 : vector<16xi32>
    }
    %scan3A_338 = arith.constant 32 : i32
    %dma_wait3A_339 = arith.constant 1024 : i32
    %dma_wait3A_340 = tpu.memref_slice %arg16[%dma_wait3A_339] : memref<3072xf32, #tpu.memory_space<vmem>> -> memref<512xf32, #tpu.memory_space<vmem>>
    %dma_wait3A_341 = arith.constant 0 : i32
    %dma_wait3A_342 = tpu.memref_slice %arg7[%dma_wait3A_341] : memref<1000001xf32, #tpu.memory_space<hbm>> -> memref<1000001xf32, #tpu.memory_space<hbm>>
    tpu.wait_indirect_dma semaphore(%arg19 : memref<!tpu.dma_semaphore, #tpu.memory_space<semaphore_mem>>) src(%dma_wait3A_342 : memref<1000001xf32, #tpu.memory_space<hbm>>) dst(%dma_wait3A_340 : memref<512xf32, #tpu.memory_space<vmem>>)
    %scan3A_343 = arith.constant 0 : i32
    %scan3A_344 = arith.constant 32 : i32
    %scan3A_345 = arith.addi %scan3A_343, %scan3A_344 : i32
    %scan3A_346 = arith.constant 4 : i32
    %scan3A_347 = scf.for %scan3A_383 = %scan3A_343 to %scan3A_345 step %scan3A_346 iter_args(%scan3A_384 = %iota3A) -> (vector<16xi32>)  : i32 {
      %mul3A_385 = arith.constant 16 : i32
      %mul3A_386 = arith.muli %scan3A_383, %mul3A_385 : i32
      %add3A_387 = arith.constant 1024 : i32
      %add3A_388 = arith.addi %add3A_387, %mul3A_386 : i32
      %get3A = arith.index_cast %add3A_388 : i32 to index
      %get3A_389 = tpu.vector_load %arg16[%get3A] {strides = array<i32>} : memref<3072xf32, #tpu.memory_space<vmem>>, vector<16xf32>,
      %mul3A_390 = arith.constant 0 : i32
      %mul3A_391 = vector.broadcast %mul3A_390 : i32 to vector<16xi32>
      %mul3A_392 = arith.muli %iota3A, %mul3A_391 : vector<16xi32>
      %add3A_393 = arith.constant 2 : i32
      %add3A_394 = vector.broadcast %add3A_393 : i32 to vector<16xi32>
      %add3A_395 = arith.addi %mul3A_392, %add3A_394 : vector<16xi32>
      tpu.vector_store_idx %arg17[%scan3A_384, %add3A_395], %get3A_389 : memref<512x20xf32, #tpu.memory_space<vmem>>[vector<16xi32>, vector<16xi32>], vector<16xf32>,
      %add3A_396 = arith.constant 16 : i32
      %add3A_397 = vector.broadcast %add3A_396 : i32 to vector<16xi32>
      %add3A_398 = arith.addi %scan3A_384, %add3A_397 : vector<16xi32>
      %scan3A_399 = arith.constant 1 : i32
      %scan3A_400 = arith.addi %scan3A_383, %scan3A_399 : i32
      %mul3A_401 = arith.constant 16 : i32
      %mul3A_402 = arith.muli %scan3A_400, %mul3A_401 : i32
      %add3A_403 = arith.constant 1024 : i32
      %add3A_404 = arith.addi %add3A_403, %mul3A_402 : i32
      %get3A_405 = arith.index_cast %add3A_404 : i32 to index
      %get3A_406 = tpu.vector_load %arg16[%get3A_405] {strides = array<i32>} : memref<3072xf32, #tpu.memory_space<vmem>>, vector<16xf32>,
      %mul3A_407 = arith.constant 0 : i32
      %mul3A_408 = vector.broadcast %mul3A_407 : i32 to vector<16xi32>
      %mul3A_409 = arith.muli %iota3A, %mul3A_408 : vector<16xi32>
      %add3A_410 = arith.constant 2 : i32
      %add3A_411 = vector.broadcast %add3A_410 : i32 to vector<16xi32>
      %add3A_412 = arith.addi %mul3A_409, %add3A_411 : vector<16xi32>
      tpu.vector_store_idx %arg17[%add3A_398, %add3A_412], %get3A_406 : memref<512x20xf32, #tpu.memory_space<vmem>>[vector<16xi32>, vector<16xi32>], vector<16xf32>,
      %add3A_413 = arith.constant 16 : i32
      %add3A_414 = vector.broadcast %add3A_413 : i32 to vector<16xi32>
      %add3A_415 = arith.addi %add3A_398, %add3A_414 : vector<16xi32>
      %scan3A_416 = arith.constant 2 : i32
      %scan3A_417 = arith.addi %scan3A_383, %scan3A_416 : i32
      %mul3A_418 = arith.constant 16 : i32
      %mul3A_419 = arith.muli %scan3A_417, %mul3A_418 : i32
      %add3A_420 = arith.constant 1024 : i32
      %add3A_421 = arith.addi %add3A_420, %mul3A_419 : i32
      %get3A_422 = arith.index_cast %add3A_421 : i32 to index
      %get3A_423 = tpu.vector_load %arg16[%get3A_422] {strides = array<i32>} : memref<3072xf32, #tpu.memory_space<vmem>>, vector<16xf32>,
      %mul3A_424 = arith.constant 0 : i32
      %mul3A_425 = vector.broadcast %mul3A_424 : i32 to vector<16xi32>
      %mul3A_426 = arith.muli %iota3A, %mul3A_425 : vector<16xi32>
      %add3A_427 = arith.constant 2 : i32
      %add3A_428 = vector.broadcast %add3A_427 : i32 to vector<16xi32>
      %add3A_429 = arith.addi %mul3A_426, %add3A_428 : vector<16xi32>
      tpu.vector_store_idx %arg17[%add3A_415, %add3A_429], %get3A_423 : memref<512x20xf32, #tpu.memory_space<vmem>>[vector<16xi32>, vector<16xi32>], vector<16xf32>,
      %add3A_430 = arith.constant 16 : i32
      %add3A_431 = vector.broadcast %add3A_430 : i32 to vector<16xi32>
      %add3A_432 = arith.addi %add3A_415, %add3A_431 : vector<16xi32>
      %scan3A_433 = arith.constant 3 : i32
      %scan3A_434 = arith.addi %scan3A_383, %scan3A_433 : i32
      %mul3A_435 = arith.constant 16 : i32
      %mul3A_436 = arith.muli %scan3A_434, %mul3A_435 : i32
      %add3A_437 = arith.constant 1024 : i32
      %add3A_438 = arith.addi %add3A_437, %mul3A_436 : i32
      %get3A_439 = arith.index_cast %add3A_438 : i32 to index
      %get3A_440 = tpu.vector_load %arg16[%get3A_439] {strides = array<i32>} : memref<3072xf32, #tpu.memory_space<vmem>>, vector<16xf32>,
      %mul3A_441 = arith.constant 0 : i32
      %mul3A_442 = vector.broadcast %mul3A_441 : i32 to vector<16xi32>
      %mul3A_443 = arith.muli %iota3A, %mul3A_442 : vector<16xi32>
      %add3A_444 = arith.constant 2 : i32
      %add3A_445 = vector.broadcast %add3A_444 : i32 to vector<16xi32>
      %add3A_446 = arith.addi %mul3A_443, %add3A_445 : vector<16xi32>
      tpu.vector_store_idx %arg17[%add3A_432, %add3A_446], %get3A_440 : memref<512x20xf32, #tpu.memory_space<vmem>>[vector<16xi32>, vector<16xi32>], vector<16xf32>,
      %add3A_447 = arith.constant 16 : i32
      %add3A_448 = vector.broadcast %add3A_447 : i32 to vector<16xi32>
      %add3A_449 = arith.addi %add3A_432, %add3A_448 : vector<16xi32>
      scf.yield %add3A_449 : vector<16xi32>
    }
    %scan3A_348 = arith.constant 32 : i32
    %dma_wait3A_349 = arith.constant 1536 : i32
    %dma_wait3A_350 = tpu.memref_slice %arg16[%dma_wait3A_349] : memref<3072xf32, #tpu.memory_space<vmem>> -> memref<512xf32, #tpu.memory_space<vmem>>
    %dma_wait3A_351 = arith.constant 0 : i32
    %dma_wait3A_352 = tpu.memref_slice %arg8[%dma_wait3A_351] : memref<1000001xf32, #tpu.memory_space<hbm>> -> memref<1000001xf32, #tpu.memory_space<hbm>>
    tpu.wait_indirect_dma semaphore(%arg19 : memref<!tpu.dma_semaphore, #tpu.memory_space<semaphore_mem>>) src(%dma_wait3A_352 : memref<1000001xf32, #tpu.memory_space<hbm>>) dst(%dma_wait3A_350 : memref<512xf32, #tpu.memory_space<vmem>>)
    %scan3A_353 = arith.constant 0 : i32
    %scan3A_354 = arith.constant 32 : i32
    %scan3A_355 = arith.addi %scan3A_353, %scan3A_354 : i32
    %scan3A_356 = arith.constant 4 : i32
    %scan3A_357 = scf.for %scan3A_383 = %scan3A_353 to %scan3A_355 step %scan3A_356 iter_args(%scan3A_384 = %iota3A) -> (vector<16xi32>)  : i32 {
      %mul3A_385 = arith.constant 16 : i32
      %mul3A_386 = arith.muli %scan3A_383, %mul3A_385 : i32
      %add3A_387 = arith.constant 1536 : i32
      %add3A_388 = arith.addi %add3A_387, %mul3A_386 : i32
      %get3A = arith.index_cast %add3A_388 : i32 to index
      %get3A_389 = tpu.vector_load %arg16[%get3A] {strides = array<i32>} : memref<3072xf32, #tpu.memory_space<vmem>>, vector<16xf32>,
      %mul3A_390 = arith.constant 0 : i32
      %mul3A_391 = vector.broadcast %mul3A_390 : i32 to vector<16xi32>
      %mul3A_392 = arith.muli %iota3A, %mul3A_391 : vector<16xi32>
      %add3A_393 = arith.constant 3 : i32
      %add3A_394 = vector.broadcast %add3A_393 : i32 to vector<16xi32>
      %add3A_395 = arith.addi %mul3A_392, %add3A_394 : vector<16xi32>
      tpu.vector_store_idx %arg17[%scan3A_384, %add3A_395], %get3A_389 : memref<512x20xf32, #tpu.memory_space<vmem>>[vector<16xi32>, vector<16xi32>], vector<16xf32>,
      %add3A_396 = arith.constant 16 : i32
      %add3A_397 = vector.broadcast %add3A_396 : i32 to vector<16xi32>
      %add3A_398 = arith.addi %scan3A_384, %add3A_397 : vector<16xi32>
      %scan3A_399 = arith.constant 1 : i32
      %scan3A_400 = arith.addi %scan3A_383, %scan3A_399 : i32
      %mul3A_401 = arith.constant 16 : i32
      %mul3A_402 = arith.muli %scan3A_400, %mul3A_401 : i32
      %add3A_403 = arith.constant 1536 : i32
      %add3A_404 = arith.addi %add3A_403, %mul3A_402 : i32
      %get3A_405 = arith.index_cast %add3A_404 : i32 to index
      %get3A_406 = tpu.vector_load %arg16[%get3A_405] {strides = array<i32>} : memref<3072xf32, #tpu.memory_space<vmem>>, vector<16xf32>,
      %mul3A_407 = arith.constant 0 : i32
      %mul3A_408 = vector.broadcast %mul3A_407 : i32 to vector<16xi32>
      %mul3A_409 = arith.muli %iota3A, %mul3A_408 : vector<16xi32>
      %add3A_410 = arith.constant 3 : i32
      %add3A_411 = vector.broadcast %add3A_410 : i32 to vector<16xi32>
      %add3A_412 = arith.addi %mul3A_409, %add3A_411 : vector<16xi32>
      tpu.vector_store_idx %arg17[%add3A_398, %add3A_412], %get3A_406 : memref<512x20xf32, #tpu.memory_space<vmem>>[vector<16xi32>, vector<16xi32>], vector<16xf32>,
      %add3A_413 = arith.constant 16 : i32
      %add3A_414 = vector.broadcast %add3A_413 : i32 to vector<16xi32>
      %add3A_415 = arith.addi %add3A_398, %add3A_414 : vector<16xi32>
      %scan3A_416 = arith.constant 2 : i32
      %scan3A_417 = arith.addi %scan3A_383, %scan3A_416 : i32
      %mul3A_418 = arith.constant 16 : i32
      %mul3A_419 = arith.muli %scan3A_417, %mul3A_418 : i32
      %add3A_420 = arith.constant 1536 : i32
      %add3A_421 = arith.addi %add3A_420, %mul3A_419 : i32
      %get3A_422 = arith.index_cast %add3A_421 : i32 to index
      %get3A_423 = tpu.vector_load %arg16[%get3A_422] {strides = array<i32>} : memref<3072xf32, #tpu.memory_space<vmem>>, vector<16xf32>,
      %mul3A_424 = arith.constant 0 : i32
      %mul3A_425 = vector.broadcast %mul3A_424 : i32 to vector<16xi32>
      %mul3A_426 = arith.muli %iota3A, %mul3A_425 : vector<16xi32>
      %add3A_427 = arith.constant 3 : i32
      %add3A_428 = vector.broadcast %add3A_427 : i32 to vector<16xi32>
      %add3A_429 = arith.addi %mul3A_426, %add3A_428 : vector<16xi32>
      tpu.vector_store_idx %arg17[%add3A_415, %add3A_429], %get3A_423 : memref<512x20xf32, #tpu.memory_space<vmem>>[vector<16xi32>, vector<16xi32>], vector<16xf32>,
      %add3A_430 = arith.constant 16 : i32
      %add3A_431 = vector.broadcast %add3A_430 : i32 to vector<16xi32>
      %add3A_432 = arith.addi %add3A_415, %add3A_431 : vector<16xi32>
      %scan3A_433 = arith.constant 3 : i32
      %scan3A_434 = arith.addi %scan3A_383, %scan3A_433 : i32
      %mul3A_435 = arith.constant 16 : i32
      %mul3A_436 = arith.muli %scan3A_434, %mul3A_435 : i32
      %add3A_437 = arith.constant 1536 : i32
      %add3A_438 = arith.addi %add3A_437, %mul3A_436 : i32
      %get3A_439 = arith.index_cast %add3A_438 : i32 to index
      %get3A_440 = tpu.vector_load %arg16[%get3A_439] {strides = array<i32>} : memref<3072xf32, #tpu.memory_space<vmem>>, vector<16xf32>,
      %mul3A_441 = arith.constant 0 : i32
      %mul3A_442 = vector.broadcast %mul3A_441 : i32 to vector<16xi32>
      %mul3A_443 = arith.muli %iota3A, %mul3A_442 : vector<16xi32>
      %add3A_444 = arith.constant 3 : i32
      %add3A_445 = vector.broadcast %add3A_444 : i32 to vector<16xi32>
      %add3A_446 = arith.addi %mul3A_443, %add3A_445 : vector<16xi32>
      tpu.vector_store_idx %arg17[%add3A_432, %add3A_446], %get3A_440 : memref<512x20xf32, #tpu.memory_space<vmem>>[vector<16xi32>, vector<16xi32>], vector<16xf32>,
      %add3A_447 = arith.constant 16 : i32
      %add3A_448 = vector.broadcast %add3A_447 : i32 to vector<16xi32>
      %add3A_449 = arith.addi %add3A_432, %add3A_448 : vector<16xi32>
      scf.yield %add3A_449 : vector<16xi32>
    }
    %scan3A_358 = arith.constant 32 : i32
    %dma_wait3A_359 = arith.constant 2048 : i32
    %dma_wait3A_360 = tpu.memref_slice %arg16[%dma_wait3A_359] : memref<3072xf32, #tpu.memory_space<vmem>> -> memref<512xf32, #tpu.memory_space<vmem>>
    %dma_wait3A_361 = arith.constant 0 : i32
    %dma_wait3A_362 = tpu.memref_slice %arg9[%dma_wait3A_361] : memref<1000001xf32, #tpu.memory_space<hbm>> -> memref<1000001xf32, #tpu.memory_space<hbm>>
    tpu.wait_indirect_dma semaphore(%arg19 : memref<!tpu.dma_semaphore, #tpu.memory_space<semaphore_mem>>) src(%dma_wait3A_362 : memref<1000001xf32, #tpu.memory_space<hbm>>) dst(%dma_wait3A_360 : memref<512xf32, #tpu.memory_space<vmem>>)
    %scan3A_363 = arith.constant 0 : i32
    %scan3A_364 = arith.constant 32 : i32
    %scan3A_365 = arith.addi %scan3A_363, %scan3A_364 : i32
    %scan3A_366 = arith.constant 4 : i32
    %scan3A_367 = scf.for %scan3A_383 = %scan3A_363 to %scan3A_365 step %scan3A_366 iter_args(%scan3A_384 = %iota3A) -> (vector<16xi32>)  : i32 {
      %mul3A_385 = arith.constant 16 : i32
      %mul3A_386 = arith.muli %scan3A_383, %mul3A_385 : i32
      %add3A_387 = arith.constant 2048 : i32
      %add3A_388 = arith.addi %add3A_387, %mul3A_386 : i32
      %get3A = arith.index_cast %add3A_388 : i32 to index
      %get3A_389 = tpu.vector_load %arg16[%get3A] {strides = array<i32>} : memref<3072xf32, #tpu.memory_space<vmem>>, vector<16xf32>,
      %mul3A_390 = arith.constant 0 : i32
      %mul3A_391 = vector.broadcast %mul3A_390 : i32 to vector<16xi32>
      %mul3A_392 = arith.muli %iota3A, %mul3A_391 : vector<16xi32>
      %add3A_393 = arith.constant 4 : i32
      %add3A_394 = vector.broadcast %add3A_393 : i32 to vector<16xi32>
      %add3A_395 = arith.addi %mul3A_392, %add3A_394 : vector<16xi32>
      tpu.vector_store_idx %arg17[%scan3A_384, %add3A_395], %get3A_389 : memref<512x20xf32, #tpu.memory_space<vmem>>[vector<16xi32>, vector<16xi32>], vector<16xf32>,
      %add3A_396 = arith.constant 16 : i32
      %add3A_397 = vector.broadcast %add3A_396 : i32 to vector<16xi32>
      %add3A_398 = arith.addi %scan3A_384, %add3A_397 : vector<16xi32>
      %scan3A_399 = arith.constant 1 : i32
      %scan3A_400 = arith.addi %scan3A_383, %scan3A_399 : i32
      %mul3A_401 = arith.constant 16 : i32
      %mul3A_402 = arith.muli %scan3A_400, %mul3A_401 : i32
      %add3A_403 = arith.constant 2048 : i32
      %add3A_404 = arith.addi %add3A_403, %mul3A_402 : i32
      %get3A_405 = arith.index_cast %add3A_404 : i32 to index
      %get3A_406 = tpu.vector_load %arg16[%get3A_405] {strides = array<i32>} : memref<3072xf32, #tpu.memory_space<vmem>>, vector<16xf32>,
      %mul3A_407 = arith.constant 0 : i32
      %mul3A_408 = vector.broadcast %mul3A_407 : i32 to vector<16xi32>
      %mul3A_409 = arith.muli %iota3A, %mul3A_408 : vector<16xi32>
      %add3A_410 = arith.constant 4 : i32
      %add3A_411 = vector.broadcast %add3A_410 : i32 to vector<16xi32>
      %add3A_412 = arith.addi %mul3A_409, %add3A_411 : vector<16xi32>
      tpu.vector_store_idx %arg17[%add3A_398, %add3A_412], %get3A_406 : memref<512x20xf32, #tpu.memory_space<vmem>>[vector<16xi32>, vector<16xi32>], vector<16xf32>,
      %add3A_413 = arith.constant 16 : i32
      %add3A_414 = vector.broadcast %add3A_413 : i32 to vector<16xi32>
      %add3A_415 = arith.addi %add3A_398, %add3A_414 : vector<16xi32>
      %scan3A_416 = arith.constant 2 : i32
      %scan3A_417 = arith.addi %scan3A_383, %scan3A_416 : i32
      %mul3A_418 = arith.constant 16 : i32
      %mul3A_419 = arith.muli %scan3A_417, %mul3A_418 : i32
      %add3A_420 = arith.constant 2048 : i32
      %add3A_421 = arith.addi %add3A_420, %mul3A_419 : i32
      %get3A_422 = arith.index_cast %add3A_421 : i32 to index
      %get3A_423 = tpu.vector_load %arg16[%get3A_422] {strides = array<i32>} : memref<3072xf32, #tpu.memory_space<vmem>>, vector<16xf32>,
      %mul3A_424 = arith.constant 0 : i32
      %mul3A_425 = vector.broadcast %mul3A_424 : i32 to vector<16xi32>
      %mul3A_426 = arith.muli %iota3A, %mul3A_425 : vector<16xi32>
      %add3A_427 = arith.constant 4 : i32
      %add3A_428 = vector.broadcast %add3A_427 : i32 to vector<16xi32>
      %add3A_429 = arith.addi %mul3A_426, %add3A_428 : vector<16xi32>
      tpu.vector_store_idx %arg17[%add3A_415, %add3A_429], %get3A_423 : memref<512x20xf32, #tpu.memory_space<vmem>>[vector<16xi32>, vector<16xi32>], vector<16xf32>,
      %add3A_430 = arith.constant 16 : i32
      %add3A_431 = vector.broadcast %add3A_430 : i32 to vector<16xi32>
      %add3A_432 = arith.addi %add3A_415, %add3A_431 : vector<16xi32>
      %scan3A_433 = arith.constant 3 : i32
      %scan3A_434 = arith.addi %scan3A_383, %scan3A_433 : i32
      %mul3A_435 = arith.constant 16 : i32
      %mul3A_436 = arith.muli %scan3A_434, %mul3A_435 : i32
      %add3A_437 = arith.constant 2048 : i32
      %add3A_438 = arith.addi %add3A_437, %mul3A_436 : i32
      %get3A_439 = arith.index_cast %add3A_438 : i32 to index
      %get3A_440 = tpu.vector_load %arg16[%get3A_439] {strides = array<i32>} : memref<3072xf32, #tpu.memory_space<vmem>>, vector<16xf32>,
      %mul3A_441 = arith.constant 0 : i32
      %mul3A_442 = vector.broadcast %mul3A_441 : i32 to vector<16xi32>
      %mul3A_443 = arith.muli %iota3A, %mul3A_442 : vector<16xi32>
      %add3A_444 = arith.constant 4 : i32
      %add3A_445 = vector.broadcast %add3A_444 : i32 to vector<16xi32>
      %add3A_446 = arith.addi %mul3A_443, %add3A_445 : vector<16xi32>
      tpu.vector_store_idx %arg17[%add3A_432, %add3A_446], %get3A_440 : memref<512x20xf32, #tpu.memory_space<vmem>>[vector<16xi32>, vector<16xi32>], vector<16xf32>,
      %add3A_447 = arith.constant 16 : i32
      %add3A_448 = vector.broadcast %add3A_447 : i32 to vector<16xi32>
      %add3A_449 = arith.addi %add3A_432, %add3A_448 : vector<16xi32>
      scf.yield %add3A_449 : vector<16xi32>
    }
    %scan3A_368 = arith.constant 32 : i32
    %dma_wait3A_369 = arith.constant 2560 : i32
    %dma_wait3A_370 = tpu.memref_slice %arg16[%dma_wait3A_369] : memref<3072xf32, #tpu.memory_space<vmem>> -> memref<512xf32, #tpu.memory_space<vmem>>
    %dma_wait3A_371 = arith.constant 0 : i32
    %dma_wait3A_372 = tpu.memref_slice %arg10[%dma_wait3A_371] : memref<1000001xf32, #tpu.memory_space<hbm>> -> memref<1000001xf32, #tpu.memory_space<hbm>>
    tpu.wait_indirect_dma semaphore(%arg19 : memref<!tpu.dma_semaphore, #tpu.memory_space<semaphore_mem>>) src(%dma_wait3A_372 : memref<1000001xf32, #tpu.memory_space<hbm>>) dst(%dma_wait3A_370 : memref<512xf32, #tpu.memory_space<vmem>>)
    %scan3A_373 = arith.constant 0 : i32
    %scan3A_374 = arith.constant 32 : i32
    %scan3A_375 = arith.addi %scan3A_373, %scan3A_374 : i32
    %scan3A_376 = arith.constant 4 : i32
    %scan3A_377 = scf.for %scan3A_383 = %scan3A_373 to %scan3A_375 step %scan3A_376 iter_args(%scan3A_384 = %iota3A) -> (vector<16xi32>)  : i32 {
      %mul3A_385 = arith.constant 16 : i32
      %mul3A_386 = arith.muli %scan3A_383, %mul3A_385 : i32
      %add3A_387 = arith.constant 2560 : i32
      %add3A_388 = arith.addi %add3A_387, %mul3A_386 : i32
      %get3A = arith.index_cast %add3A_388 : i32 to index
      %get3A_389 = tpu.vector_load %arg16[%get3A] {strides = array<i32>} : memref<3072xf32, #tpu.memory_space<vmem>>, vector<16xf32>,
      %mul3A_390 = arith.constant 0 : i32
      %mul3A_391 = vector.broadcast %mul3A_390 : i32 to vector<16xi32>
      %mul3A_392 = arith.muli %iota3A, %mul3A_391 : vector<16xi32>
      %add3A_393 = arith.constant 5 : i32
      %add3A_394 = vector.broadcast %add3A_393 : i32 to vector<16xi32>
      %add3A_395 = arith.addi %mul3A_392, %add3A_394 : vector<16xi32>
      tpu.vector_store_idx %arg17[%scan3A_384, %add3A_395], %get3A_389 : memref<512x20xf32, #tpu.memory_space<vmem>>[vector<16xi32>, vector<16xi32>], vector<16xf32>,
      %add3A_396 = arith.constant 16 : i32
      %add3A_397 = vector.broadcast %add3A_396 : i32 to vector<16xi32>
      %add3A_398 = arith.addi %scan3A_384, %add3A_397 : vector<16xi32>
      %scan3A_399 = arith.constant 1 : i32
      %scan3A_400 = arith.addi %scan3A_383, %scan3A_399 : i32
      %mul3A_401 = arith.constant 16 : i32
      %mul3A_402 = arith.muli %scan3A_400, %mul3A_401 : i32
      %add3A_403 = arith.constant 2560 : i32
      %add3A_404 = arith.addi %add3A_403, %mul3A_402 : i32
      %get3A_405 = arith.index_cast %add3A_404 : i32 to index
      %get3A_406 = tpu.vector_load %arg16[%get3A_405] {strides = array<i32>} : memref<3072xf32, #tpu.memory_space<vmem>>, vector<16xf32>,
      %mul3A_407 = arith.constant 0 : i32
      %mul3A_408 = vector.broadcast %mul3A_407 : i32 to vector<16xi32>
      %mul3A_409 = arith.muli %iota3A, %mul3A_408 : vector<16xi32>
      %add3A_410 = arith.constant 5 : i32
      %add3A_411 = vector.broadcast %add3A_410 : i32 to vector<16xi32>
      %add3A_412 = arith.addi %mul3A_409, %add3A_411 : vector<16xi32>
      tpu.vector_store_idx %arg17[%add3A_398, %add3A_412], %get3A_406 : memref<512x20xf32, #tpu.memory_space<vmem>>[vector<16xi32>, vector<16xi32>], vector<16xf32>,
      %add3A_413 = arith.constant 16 : i32
      %add3A_414 = vector.broadcast %add3A_413 : i32 to vector<16xi32>
      %add3A_415 = arith.addi %add3A_398, %add3A_414 : vector<16xi32>
      %scan3A_416 = arith.constant 2 : i32
      %scan3A_417 = arith.addi %scan3A_383, %scan3A_416 : i32
      %mul3A_418 = arith.constant 16 : i32
      %mul3A_419 = arith.muli %scan3A_417, %mul3A_418 : i32
      %add3A_420 = arith.constant 2560 : i32
      %add3A_421 = arith.addi %add3A_420, %mul3A_419 : i32
      %get3A_422 = arith.index_cast %add3A_421 : i32 to index
      %get3A_423 = tpu.vector_load %arg16[%get3A_422] {strides = array<i32>} : memref<3072xf32, #tpu.memory_space<vmem>>, vector<16xf32>,
      %mul3A_424 = arith.constant 0 : i32
      %mul3A_425 = vector.broadcast %mul3A_424 : i32 to vector<16xi32>
      %mul3A_426 = arith.muli %iota3A, %mul3A_425 : vector<16xi32>
      %add3A_427 = arith.constant 5 : i32
      %add3A_428 = vector.broadcast %add3A_427 : i32 to vector<16xi32>
      %add3A_429 = arith.addi %mul3A_426, %add3A_428 : vector<16xi32>
      tpu.vector_store_idx %arg17[%add3A_415, %add3A_429], %get3A_423 : memref<512x20xf32, #tpu.memory_space<vmem>>[vector<16xi32>, vector<16xi32>], vector<16xf32>,
      %add3A_430 = arith.constant 16 : i32
      %add3A_431 = vector.broadcast %add3A_430 : i32 to vector<16xi32>
      %add3A_432 = arith.addi %add3A_415, %add3A_431 : vector<16xi32>
      %scan3A_433 = arith.constant 3 : i32
      %scan3A_434 = arith.addi %scan3A_383, %scan3A_433 : i32
      %mul3A_435 = arith.constant 16 : i32
      %mul3A_436 = arith.muli %scan3A_434, %mul3A_435 : i32
      %add3A_437 = arith.constant 2560 : i32
      %add3A_438 = arith.addi %add3A_437, %mul3A_436 : i32
      %get3A_439 = arith.index_cast %add3A_438 : i32 to index
      %get3A_440 = tpu.vector_load %arg16[%get3A_439] {strides = array<i32>} : memref<3072xf32, #tpu.memory_space<vmem>>, vector<16xf32>,
      %mul3A_441 = arith.constant 0 : i32
      %mul3A_442 = vector.broadcast %mul3A_441 : i32 to vector<16xi32>
      %mul3A_443 = arith.muli %iota3A, %mul3A_442 : vector<16xi32>
      %add3A_444 = arith.constant 5 : i32
      %add3A_445 = vector.broadcast %add3A_444 : i32 to vector<16xi32>
      %add3A_446 = arith.addi %mul3A_443, %add3A_445 : vector<16xi32>
      tpu.vector_store_idx %arg17[%add3A_432, %add3A_446], %get3A_440 : memref<512x20xf32, #tpu.memory_space<vmem>>[vector<16xi32>, vector<16xi32>], vector<16xf32>,
      %add3A_447 = arith.constant 16 : i32
      %add3A_448 = vector.broadcast %add3A_447 : i32 to vector<16xi32>
      %add3A_449 = arith.addi %add3A_432, %add3A_448 : vector<16xi32>
      scf.yield %add3A_449 : vector<16xi32>
    }
    %scan3A_378 = arith.constant 32 : i32
    "tpu.region"() ({
      %run_scoped3A = tpu.sem_alloc : memref<!tpu.dma_semaphore, #tpu.memory_space<semaphore_mem>>
      %dma_start3A_383 = arith.constant 8 : i32
      %dma_start3A_384 = tpu.memref_slice %arg11[%mul3A_2, %dma_start3A_383] : memref<16384x28xf32, #tpu.memory_space<hbm>> -> memref<512x20xf32, #tpu.memory_space<hbm>>
      %dma_start3A_385 = arith.constant 8 : i32
      %dma_start3A_386 = tpu.memref_slice %arg11[%mul3A_2, %dma_start3A_385] : memref<16384x28xf32, #tpu.memory_space<hbm>> -> memref<512x20xf32, #tpu.memory_space<hbm>>
      tpu.enqueue_dma source(%arg17 : memref<512x20xf32, #tpu.memory_space<vmem>>) target(%dma_start3A_386 : memref<512x20xf32, #tpu.memory_space<hbm>>) target_semaphore(%run_scoped3A : memref<!tpu.dma_semaphore, #tpu.memory_space<semaphore_mem>>)
      %dma_wait3A_387 = arith.constant 8 : i32
      %dma_wait3A_388 = tpu.memref_slice %arg11[%mul3A_2, %dma_wait3A_387] : memref<16384x28xf32, #tpu.memory_space<hbm>> -> memref<512x20xf32, #tpu.memory_space<hbm>>
      %dma_wait3A_389 = arith.constant 8 : i32
      %dma_wait3A_390 = tpu.memref_slice %arg11[%mul3A_2, %dma_wait3A_389] : memref<16384x28xf32, #tpu.memory_space<hbm>> -> memref<512x20xf32, #tpu.memory_space<hbm>>
      tpu.wait_dma2 semaphore(%run_scoped3A : memref<!tpu.dma_semaphore, #tpu.memory_space<semaphore_mem>>) src(%arg17 : memref<512x20xf32, #tpu.memory_space<vmem>>) dst(%dma_wait3A_390 : memref<512x20xf32, #tpu.memory_space<hbm>>)
      tpu.yield
    }) : () -> ()
    %dma_wait3A_379 = arith.constant 0 : i32
    %dma_wait3A_380 = tpu.memref_slice %arg11[%mul3A_2, %dma_wait3A_379] : memref<16384x28xf32, #tpu.memory_space<hbm>> -> memref<512x8xf32, #tpu.memory_space<hbm>>
    %dma_wait3A_381 = arith.constant 0 : i32
    %dma_wait3A_382 = tpu.memref_slice %arg11[%mul3A_2, %dma_wait3A_381] : memref<16384x28xf32, #tpu.memory_space<hbm>> -> memref<512x8xf32, #tpu.memory_space<hbm>>
    tpu.wait_dma2 semaphore(%arg18 : memref<!tpu.dma_semaphore, #tpu.memory_space<semaphore_mem>>) src(%arg15 : memref<512x8xf32, #tpu.memory_space<vmem>>) dst(%dma_wait3A_382 : memref<512x8xf32, #tpu.memory_space<hbm>>)
    return
  }
}

</mosaic_0001>

<sc_bundles>
// kernel: kernel.3.cloned.1.call-start
scs
__scs_entry_jumppad:
0x0: {  	(pc) =	sbr.rel $0x88, $3  }
0x1: {  	(tag) =	ssettag $0x0;
	lr =	simm.s32 $0x1  }
0x2: {  	[smem:$0x3F97] =	sst lr;
	_ =	strace $0xD0000000  }
0x3: {  	_ = 	snop  }
0x4: {  	_ = 	snop  }
0x5: {  	_ = 	snop  }
0x6: {  	_ = 	snop  }
0x7: {  	_ = 	snop  }
__scs_overlays_trampoline_lowered:
0x8: {  	[smem:$0x3FA6] =	sst s0  }
0x9: {  	[smem:$0x3FA7] =	sst s1  }
0xa: {  	[smem:$0x3FA8] =	sst s2  }
0xb: {  	[smem:$0x3FA9] =	sst s3  }
0xc: {  	[smem:$0x3FAA] =	sst s4  }
0xd: {  	[smem:$0x3FAB] =	sst s5  }
0xe: {  	[smem:$0x3FAC] =	sst s6  }
0xf: {  	[smem:$0x3FAD] =	sst s7  }
0x10: {  	[smem:$0x3FAE] =	sst s8  }
0x11: {  	[smem:$0x3FAF] =	sst s9;
	s0 =	simm.s32 @!p0 $0x0  }
0x12: {  	s1 =	sld [smem:$0x3F95];
	s0 =	simm.s32 @p0 $0x1  }
0x13: {  	[smem:$0x3FB0] =	sst s0;
	s0 =	simm.s32 @!p1 $0x0  }
0x14: {  	s2 =	sld [smem:$0x3F94];
	s0 =	simm.s32 @p1 $0x1  }
0x15: {  	[smem:$0x3FB1] =	sst s0;
	s0 =	simm.s32 @!p2 $0x0  }
0x16: {  	s3 =	sld [smem:$0x3FDB];
	s0 =	simm.s32 @p2 $0x1  }
0x17: {  	s4 =	simm.s32 $0x1BF5;
	[smem:$0x3FB3] =	sst s0  }
0x18: {  	s0 =	sld [smem:$0x3F96];
	_ =	swait.ge [sflag:s4], $0x0  }
0x19: {  	s7 =	sld [smem:$0x3F97]  }
0x1a: {  	s8 =	sadd.s32 $0xFFFFE003, lr  }
0x1b: {  	s9 =	sadd.s32 $0xFFFFFEF7, lr;
	s5 =	simm.s32 $0xFFFFFFFF;
	p2 =	slt.u32 s8, $0xFFFFF086  }
0x1c: {  	p1 =	slt.u32 s9, $0xF7A;
	s5 =	simm.s32 @!p2 $0x0  }
0x1d: {  	s5 =	simm.s32 @p1 $0x1;
	p0 =	seq.s32 s7, s2  }
0x1e: {  	s7 =	smul.u32 @!p0 $0xF7A, s2;
	p2 =	seq.s32 @!p0 s5, $0x0  }
0x1f: {  	s9 =	smul.u32 $0xF7A, s1;
	s8 =	simm.s32 @!p0 $0x1BF5;
	p2 =	por !p2, p0  }
0x20: {  	[sflag:s8] =	ssyncset.s32 @!p0 $0xFFFFF086;
	s6 =	sadd.s32 @!p0 s3, s7;
	s7 =	simm.s32 @!p0 $0x108  }
0x21: {  	s3 =	sadd.s32 s3, s9;
	s6 =	sadd.s32 @!p0 $0x88, s6;
	s7 =	simm.s32 @p2 $0x1082  }
0x22: {  	[simem:s7], [sflag:s8] =	dma.local @!p0 [hbm:s6], $0xF7A  }
0x23: {  	s9 =	sor.u32 $0xD0000000, s2;
	s6 =	simm.s32 $0x108;
	_ =	swait.ge @!p0 [sflag:s8], $0x0  }
0x24: {  	s3 =	sadd.s32 $0x88, s3;
	s6 =	simm.s32 @!p1 $0x1082;
	[sflag:s4] =	ssyncset.s32 $0xFFFFF086  }
0x25: {  	[simem:s6], [sflag:s4] =	dma.local [hbm:s3], $0xF7A  }
0x26: {  	[smem:$0x3F97] =	sst s1;
	(tag) =	ssettag s2;
	_ =	strace s9  }
0x27: {  	s1 =	sld [smem:$0x3FA7]  }
0x28: {  	s2 =	sld [smem:$0x3FA8]  }
0x29: {  	s4 =	sld [smem:$0x3FAA]  }
0x2a: {  	p0 =	seq.s32 s5, $0x0;
	s5 =	sld [smem:$0x3FAB]  }
0x2b: {  	s6 =	sld [smem:$0x3FAC]  }
0x2c: {  	s7 =	sld [smem:$0x3FAD]  }
0x2d: {  	s3 =	simm.s32 $0x108;
	s8 =	sld [smem:$0x3FAE]  }
0x2e: {  	s3 =	simm.s32 @!p0 $0x1082;
	s9 =	sld [smem:$0x3FAF]  }
0x2f: {  	lr =	sadd.s32 s0, s3;
	s0 =	sld [smem:$0x3FA6]  }
0x30: {  	s3 =	sld [smem:$0x3FA9]  }
0x31: {  	[smem:$0x3FB2] =	sst s10  }
0x32: {  	s10 =	sld [smem:$0x3FB0];
	_ =	sdelay $0x3  }
0x33: {  	p0 =	seq.s32 s10, $0x1;
	s10 =	sld [smem:$0x3FB2];
	_ =	sdelay $0x3  }
0x34: {  	[smem:$0x3FB2] =	sst s10  }
0x35: {  	s10 =	sld [smem:$0x3FB1];
	_ =	sdelay $0x3  }
0x36: {  	p1 =	seq.s32 s10, $0x1;
	s10 =	sld [smem:$0x3FB2];
	_ =	sdelay $0x3  }
0x37: {  	[smem:$0x3FB2] =	sst s10  }
0x38: {  	s10 =	sld [smem:$0x3FB3]  }
0x39: {  	_ = 	snop;
	(pc) =	sbr.ind lr, $3  }
0x3a: {  	_ = 	snop  }
0x3b: {  	_ = 	snop  }
0x3c: {  	p2 =	seq.s32 s10, $0x1;
	s10 =	sld [smem:$0x3FB2]  }
0x3d: {  	_ =	shalt  }
0x3e: {  	_ =	shalt  }
0x3f: {  	_ =	shalt  }
0x40: {  	_ =	shalt  }
0x41: {  	_ =	shalt  }
0x42: {  	_ =	shalt  }
0x43: {  	_ =	shalt  }
0x44: {  	_ =	shalt  }
0x45: {  	_ =	shalt  }
0x46: {  	_ =	shalt  }
0x47: {  	_ =	shalt  }
0x48: {  	_ =	shalt  }
0x49: {  	_ =	shalt  }
0x4a: {  	_ =	shalt  }
0x4b: {  	_ =	shalt  }
0x4c: {  	_ =	shalt  }
0x4d: {  	_ =	shalt  }
0x4e: {  	_ =	shalt  }
0x4f: {  	_ =	shalt  }
0x50: {  	_ =	shalt  }
0x51: {  	_ =	shalt  }
0x52: {  	_ =	shalt  }
0x53: {  	_ =	shalt  }
0x54: {  	_ =	shalt  }
0x55: {  	_ =	shalt  }
0x56: {  	_ =	shalt  }
0x57: {  	_ =	shalt  }
0x58: {  	_ =	shalt  }
0x59: {  	_ =	shalt  }
0x5a: {  	_ =	shalt  }
0x5b: {  	_ =	shalt  }
0x5c: {  	_ =	shalt  }
0x5d: {  	_ =	shalt  }
0x5e: {  	_ =	shalt  }
0x5f: {  	_ =	shalt  }
0x60: {  	_ =	shalt  }
0x61: {  	_ =	shalt  }
0x62: {  	_ =	shalt  }
0x63: {  	_ =	shalt  }
0x64: {  	_ =	shalt  }
0x65: {  	_ =	shalt  }
0x66: {  	_ =	shalt  }
0x67: {  	_ =	shalt  }
0x68: {  	_ =	shalt  }
0x69: {  	_ =	shalt  }
0x6a: {  	_ =	shalt  }
0x6b: {  	_ =	shalt  }
0x6c: {  	_ =	shalt  }
0x6d: {  	_ =	shalt  }
0x6e: {  	_ =	shalt  }
0x6f: {  	_ =	shalt  }
0x70: {  	_ =	shalt  }
0x71: {  	_ =	shalt  }
0x72: {  	_ =	shalt  }
0x73: {  	_ =	shalt  }
0x74: {  	_ =	shalt  }
0x75: {  	_ =	shalt  }
0x76: {  	_ =	shalt  }
0x77: {  	_ =	shalt  }
0x78: {  	_ =	shalt  }
0x79: {  	_ =	shalt  }
0x7a: {  	_ =	shalt  }
0x7b: {  	_ =	shalt  }
0x7c: {  	_ =	shalt  }
0x7d: {  	_ =	shalt  }
0x7e: {  	_ =	shalt  }
0x7f: {  	_ =	shalt  }
0x80: {  	_ =	shalt  }
0x81: {  	_ =	shalt  }
0x82: {  	_ =	shalt  }
0x83: {  	_ =	shalt  }
0x84: {  	_ =	shalt  }
0x85: {  	_ =	shalt  }
0x86: {  	_ =	shalt  }
0x87: {  	_ =	shalt  }
.Lfunc_end0:
.L_simem_size_0:
called_computation_lowered:
.L_overlay_start_0:
0x88: {  	s2 =	sld [smem:$0x3FD9]  }
0x89: {  	s3 =	sld [smem:$0x3FFE];
	_ =	sdelay $0x1  }
0x8a: {  	s1 =	srdreg.scid  }
0x8b: {  	s0 =	sand.u32 $0x1, s1  }
0x8c: {  	s17 =	sshll.u32 s0, $0xA;
	s2 =	sadd.s32 s3, s2  }
0x8d: {  	s2 =	sadd.s32 s2, s17  }
0x8e: {  	[smem:$0x3FBE] =	sst s2  }
0x8f: {  	_ = 	snop  }
0x90: {  	s2 =	sld [smem:$0x3FC8]  }
0x91: {  	s18 =	sld [smem:$0x3FD0];
	(tm) =	ssettm $0x1  }
0x92: {  	s4 =	sld [smem:$0x3FFB];
	_ =	sdelay $0x3  }
0x93: {  	_ =	strace s4  }
0x94: {  	s4 =	sld [smem:$0x3FFC];
	_ =	sdelay $0x3  }
0x95: {  	_ =	strace s4  }
0x96: {  	s4 =	sld [smem:$0x3FFD];
	_ =	sdelay $0x3  }
0x97: {  	_ =	strace s4  }
0x98: {  	_ =	strace $0x8FFFFFFF  }
0x99: {  	s19 =	sld [smem:$0x3FDB];
	_ =	sdelay $0x1  }
0x9a: {  	s5 =	simm.s32 $_scs_section_size  }
0x9b: {  	s6 =	simm.s32 $_size__tile_overlayer_lowered;
	s7 =	simm.s32 $_tile_overlayer_lowered  }
0x9c: {  	s22 =	simm.s32 $0x1BFF;
	s21 =	sshll.u32 s7, $0x1;
	s4 =	sadd.s32 s5, s19  }
0x9d: {  	s8 =	simm.s32 $0x0;
	s20 =	sshll.u32 s6, $0x1;
	s6 =	sadd.s32 s21, s4  }
0x9e: {  	[timem:s8], [sflag:s22] =	dma.local [hbm:s6], s20  }
0x9f: {  	_ =	swait.ge [sflag:s22], s20  }
0xa0: {  	s5 =	ssub.s32 $0x0, s20;
	[sflag:s22] =	ssyncset.done $0x0  }
0xa1: {  	[sflag:s22] =	ssyncadd.s32 s5;
	_ =	sdelay $0x1  }
0xa2: {  	s23 =	simm.s32 $0x1B8B  }
0xa3: {  	_ =	swait.ge [sflag:s23], $0x1  }
0xa4: {  	[sflag:s23] =	ssyncset.done $0x0  }
0xa5: {  	s25 =	simm.s32 $0x1B8E;
	s24 =	sld [smem:$0x3FFE];
	[sflag:s23] =	ssyncadd.s32 $0xFFFFFFFF  }
0xa6: {  	s26 =	simm.s32 $execute0_lowered;
	[smem:$0x3FD2] =	sst s25  }
0xa7: {  	s6 =	sshll.u32 s26, $0x1;
	_ =	strace $0x80000046;
	[dreg:$0x1] =	wrdreg $0xFFFFFFFF  }
0xa8: {  	s28 =	simm.s32 $_size_execute0_lowered;
	s4 =	sadd.s32 s4, s6;
	[dreg:$0x0] =	wrdreg $0x0  }
0xa9: {  	s6 =	sshll.u32 s28, $0x1;
	[dreg:$0x2] =	wrdreg s4  }
0xaa: {  	[dreg:$0x3] =	wrdreg s6  }
0xab: {  	[dreg:$0x4] =	wrdreg $0xC0  }
0xac: {  	_ =	task [dreg:s8], $0x5FFFF  }
0xad: {  	[dreg:$0x1] =	wrdreg $0xFFFFFFFF  }
0xae: {  	[dreg:$0x0] =	wrdreg $0x60  }
0xaf: {  	[dreg:$0x2] =	wrdreg s24  }
0xb0: {  	[dreg:$0x3] =	wrdreg s2  }
0xb1: {  	[dreg:$0x4] =	wrdreg s18  }
0xb2: {  	[dreg:$0x5] =	wrdreg $0x9  }
0xb3: {  	_ =	task.clear_ibuf [dreg:s8], $0x6FFFF;
	_ =	strace $0x90000046  }
0xb4: {  	s29 =	simm.s32 $0x9;
	_ =	strace $0x80000048  }
0xb5: {  	_ =	swait.ge [sflag:s29], $0x1  }
0xb6: {  	[sflag:s29] =	ssyncadd.s32 $0xFFFFFFFF  }
0xb7: {  	_ =	strace $0x90000048  }
0xb8: {  	_ =	sfence  }
0xb9: {  	s30 =	sld [smem:$0x0];
	_ =	sdelay $0x2  }
0xba: {  	s31 =	sshll.u32 s1, $0xD;
	s1 =	sshrl.u32 s1, $0x2  }
0xbb: {  	s3 =	sand.u32 $0x4000, s31;
	s1 =	sadd.s32 s1, s30  }
0xbc: {  	s0 =	sor.u32 s3, s0;
	s1 =	sshll.u32 s1, $0x11  }
0xbd: {  	s0 =	sor.u32 s1, s0  }
0xbe: {  	s0 =	sadd.s32 $0x8F2B, s0  }
0xbf: {  	[sflag:s0] =	ssyncadd.remote.s32 $0x1  }
0xc0: {  	_ =	sfence.sel $0xFFFF  }
0xc1: {  	[dreg:$0x0] =	wrdreg $0xFFFFFFFF;
	(pc) =	sbr.abs _section_cstart, $3  }
0xc2: {  	[dreg:$0x1] =	wrdreg $0xFFFFFFFF  }
0xc3: {  	_ =	task.clear_ibuf [dreg:s8], $0x2FFFF;
	_ =	strace $0x9FFFFFFF  }
0xc4: {  	(tm) =	ssettm $0x7FFFFFFF  }
0xc5: {  	_ =	shalt  }
tec
execute0_lowered:
.L_overlay_start_1:
0x0: {  	(tag) =	ssettag $0x1  }
0x1: {  	v0 =	vimm.s32 $0xFEDCBA  }
0x2: {  	vm1 =	vcmask $0x1700;
	v1 =	vimm.s32 $0x402;
	v2 =	vimm.s32 $0x63626160  }
0x3: {  	vm2 =	vcmask $0x2F18;
	v3 =	vimm.s32 $0x23222524;
	v4 =	vimm.s32 $0x27263B3A  }
0x4: {  	vm0 =	vcmask $0x2718;
	v5 =	vimm.s32 $0x61606564;
	vm7 =	vcmask $0x3728  }
0x5: {  	vm8 =	vcmask $0x1F10;
	vm9 =	vcmask $0x700;
	v7 =	vimm.s32 $0x57565554  }
0x6: {  	v8 =	vimm.s32 $0x83826F6E;
	v9 =	vimm.s32 $0x6D6C6B6A;
	v10 =	vimm.s32 $0xE7E6E5E4  }
0x7: {  	v11 =	vimm.s32 $0xFDFCFBFA;
	v12 =	vimm.s32 $0xCDCCCBCA;
	v13 =	vimm.s32 $0xE3E2CFCE  }
0x8: {  	vm10 =	vcmask $0x1F08;
	vm11 =	vcmask $0x3720;
	vm12 =	vcmask $0xF00  }
0x9: {  	vm13 =	vcmask $0x2710;
	vm14 =	vcmask $0x300;
	vm15 =	vcmask $0x704  }
0xa: {  	vm4 =	vcmask $0xB08;
	vm5 =	vcmask $0xF0C;
	vm6 =	vcmask $0x1310  }
0xb: {  	v26 =	vlaneseq.u32;
	v0 =	vunpack.c.l.s4.s8 v0;
	v1 =	vsel vm1, $0x400, v1  }
0xc: {  	v2 =	vunpack.c.0.s8.s32 v2;
	v3 =	vunpack.c.0.s8.s32 v3;
	v4 =	vunpack.c.0.s8.s32 v4  }
0xd: {  	v7 =	vunpack.c.0.s8.s32 v7;
	v8 =	vunpack.c.0.s8.s32 v8;
	v0 =	vunpack.c.0.s8.s32 v0  }
0xe: {  	v10 =	vunpack.c.0.s8.s32 v10;
	v11 =	vunpack.c.0.s8.s32 v11;
	v28 =	vand.u32 $0x3, v26  }
0xf: {  	v14 =	vadd.s32 $0x66, v28;
	v17 =	vadd.s32 $0xC6, v28;
	v0 =	vand.u32 $0xF, v0  }
0x10: {  	v27 =	vor.u32 $0xD0, v28;
	v24 =	vsel vm8, v11, v10;
	v0 =	vnsel vm1, $0x3D, v0  }
0x11: {  	v10 =	vand.u32 $0x7, v26;
	v11 =	vshrl.u32 v26, $0x2;
	v0 =	vsel vm0, v3, v0  }
0x12: {  	v3 =	vunpack.c.0.s8.s32 v5;
	v5 =	vimm.s32 $0x65646362;
	vm0 =	vcmask $0x3B38  }
0x13: {  	v6 =	vsel vm7, v4, v0;
	v4 =	vunpack.c.0.s8.s32 v5;
	v0 =	vimm.s32 $0x40A  }
0x14: {  	vm7 =	vcmask $0x1714;
	v5 =	vsel vm1, $0x408, v0;
	v0 =	vsel vm2, $0x401, v1  }
0x15: {  	v16 =	vsel vm8, v3, v2;
	v6 =	vsel vm0, $0x3C, v6;
	v20 =	vsel vm8, v2, v4  }
0x16: {  	v1 =	vsel vm2, $0x409, v5;
	v2 =	vimm.s32 $0x405;
	v5 =	vimm.s32 $0x53523F3E  }
0x17: {  	v21 =	vsel vm8, v4, v3;
	v3 =	vunpack.c.0.s8.s32 v9;
	v4 =	vand.u32 $0xFF, v8  }
0x18: {  	v8 =	vimm.s32 $0x87868584;
	v9 =	vimm.s32 $0x9D9C9B9A;
	v5 =	vunpack.c.0.s8.s32 v5  }
0x19: {  	v2 =	vsel vm9, $0x402, v2;
	v8 =	vunpack.c.0.s8.s32 v8;
	v15 =	vcombine.low v16, v20  }
0x1a: {  	v9 =	vunpack.c.0.s8.s32 v9;
	v16 =	vcombine.low v21, v16;
	v20 =	vcombine.low v20, v21  }
0x1b: {  	v22 =	vsel vm8, v4, v3;
	v3 =	vunpack.c.0.s8.s32 v12;
	v4 =	vunpack.c.0.s8.s32 v13  }
0x1c: {  	v2 =	vsel vm10, $0x403, v2;
	v12 =	vor.u32 $0x40, v28;
	v13 =	vadd.s32 $0x6, v28  }
0x1d: {  	v19 =	vsel vm8, v7, v5;
	v5 =	vimm.s32 $0xB3B29F9E;
	v7 =	vimm.s32 $0xB7B6B5B4  }
0x1e: {  	v23 =	vsel vm8, v9, v8;
	v2 =	vsel vm11, $0x404, v2;
	v8 =	vimm.s32 $0x177  }
0x1f: {  	v9 =	vshrl.u32 v26, $0x3;
	v5 =	vunpack.c.0.s8.s32 v5;
	v7 =	vunpack.c.0.s8.s32 v7  }
0x20: {  	v25 =	vsel vm8, v4, v3;
	v3 =	vimm.s32 $0x40D;
	v4 =	vimm.s32 $0x407  }
0x21: {  	v8 =	vsel vm14, $0x144, v8;
	v19 =	vcombine.low v19, v22;
	v3 =	vsel vm9, $0x40A, v3  }
0x22: {  	v4 =	vsel vm12, $0x405, v4;
	v8 =	vsel vm15, $0x145, v8;
	vm9 =	vcmask $0x1F1C  }
0x23: {  	v24 =	vcombine.low v25, v24;
	v25 =	vor.u32 $0x10, v28;
	v18 =	vsel vm8, v7, v5  }
0x24: {  	v3 =	vsel vm10, $0x40B, v3;
	v5 =	vimm.s32 $0x40F;
	v4 =	vsel vm13, $0x406, v4  }
0x25: {  	v7 =	vimm.s32 $0x143;
	v8 =	vsel vm4, $0x146, v8;
	vm8 =	vcmask $0x1B18  }
0x26: {  	vm10 =	vcmask $0x2320;
	v3 =	vsel vm11, $0x40C, v3;
	v5 =	vsel vm12, $0x40D, v5  }
0x27: {  	v7 =	vsel vm14, $0xFE, v7;
	v8 =	vsel vm5, $0x147, v8;
	vm11 =	vcmask $0x2724  }
0x28: {  	vm12 =	vcmask $0x2B28;
	vm14 =	vcmask $0x3330;
	v23 =	vcombine.low v23, v18  }
0x29: {  	v18 =	vadd.s32 $0x126, v28;
	v22 =	vand.u32 $0xFF, v24;
	v24 =	vor.u32 $0x108, v28  }
0x2a: {  	v5 =	vsel vm13, $0x40E, v5;
	v7 =	vsel vm15, $0xFF, v7;
	v8 =	vsel vm6, $0x15A, v8  }
0x2b: {  	s0 =	rddreg [dreg:$0x0];
	vm13 =	vcmask $0x2F2C;
	vm15 =	vcmask $0x3734;
	v7 =	vsel vm4, $0x112, v7  }
0x2c: {  	s1 =	rddreg [dreg:$0x1];
	s2 =	srdreg.scid;
	v8 =	vsel vm7, $0x15B, v8;
	v21 =	vand.u32 $0xFF, v23;
	v23 =	vmul.u32 $0x18, v26  }
0x2d: {  	s3 =	stileid.u32;
	s11 =	rddreg [dreg:$0x2];
	s16 =	simm.s32 $0x3;
	v26 =	vor.u32 $0x70, v28;
	v7 =	vsel vm5, $0x113, v7;
	v8 =	vsel vm8, $0x15C, v8  }
0x2e: {  	s17 =	simm.s32 $0x200;
	s20 =	simm.s32 $0x1F60;
	s21 =	simm.s32 $0x2160;
	v28 =	vor.u32 $0x130, v28;
	v7 =	vsel vm6, $0x114, v7;
	v8 =	vsel vm9, $0x15D, v8  }
0x2f: {  	s22 =	simm.s32 $0x2360;
	s23 =	simm.s32 $0x2560;
	s24 =	simm.s32 $0xA00;
	v29 =	vadd.s32 $0x180, v23;
	v30 =	vadd.s32 $0x300, v23;
	v31 =	vadd.s32 $0x480, v23  }
0x30: {  	s25 =	simm.s32 $0xB60;
	s26 =	simm.s32 $0x8;
	s28 =	simm.s32 $0x20;
	v32 =	vor.u32 $0x600, v23;
	v33 =	vadd.s32 $0x780, v23;
	v34 =	vadd.s32 $0x900, v23  }
0x31: {  	s29 =	simm.s32 $0x2760;
	s30 =	simm.s32 $0x2;
	s31 =	simm.s32 $0x18;
	v35 =	vadd.s32 $0xA80, v23;
	v36 =	vor.u32 $0xC00, v23;
	v7 =	vsel vm7, $0x115, v7  }
0x32: {  	s2 =	sand.u32 $0x1, s2;
	s4 =	sshll.u32 s3, $0x1;
	s3 =	simm.s32 $0x0;
	v37 =	vadd.s32 $0xD80, v23;
	v38 =	vadd.s32 $0xF00, v23;
	v7 =	vsel vm8, $0x116, v7  }
0x33: {  	s5 =	sadd.s32 $0x7CA00, s0;
	s6 =	sadd.s32 $0x5E000, s0;
	s7 =	sadd.s32 $0x3F600, s0;
	v39 =	vadd.s32 $0x1080, v23;
	v40 =	vor.u32 $0x1200, v23;
	v7 =	vsel vm9, $0x117, v7  }
0x34: {  	s8 =	sadd.s32 $0x20C00, s0;
	s9 =	sadd.s32 $0x2200, s0;
	s10 =	sor.u32 s2, s4;
	v41 =	vadd.s32 $0x1380, v23;
	v8 =	vsel vm10, $0x15E, v8;
	v7 =	vsel vm10, $0x12A, v7  }
0x35: {  	[smem:$0x7FF] =	sst s3;
	s2 =	ssub.s32 $0x2, s2;
	s4 =	sshll.u32 s10, $0x8;
	v42 =	vadd.s32 $0x1500, v23;
	v8 =	vsel vm11, $0x15F, v8;
	v7 =	vsel vm11, $0x12B, v7  }
0x36: {  	_ =	strace $0x80000047;
	s13 =	sshrl.u32 s2, $0x1;
	s14 =	sshll.u32 s10, $0x6;
	v43 =	vadd.s32 $0x1680, v23;
	v8 =	vsel vm12, $0x172, v8;
	v7 =	vsel vm12, $0x12C, v7  }
0x37: {  	s15 =	sshll.u32 s10, $0xB;
	s12 =	sadd.s32 s4, s0;
	s4 =	sadd.s32 $0x9B400, s0;
	v44 =	vor.u32 $0x1800, v23;
	v8 =	vsel vm13, $0x173, v8;
	v7 =	vsel vm13, $0x12D, v7  }
0x38: {  	s2 =	ssub.s32 s2, s13;
	s10 =	sadd.s32 s1, s14;
	s11 =	sadd.s32 s11, s15;
	v45 =	vadd.s32 $0x1980, v23;
	v8 =	vsel vm14, $0x174, v8;
	v7 =	vsel vm14, $0x12E, v7  }
0x39: {  	s15 =	simm.s32 $0x800;
	s1 =	simm.s32 $0x0;
	s12 =	sadd.s32 $0x200, s12;
	v46 =	vadd.s32 $0x1B00, v23;
	v8 =	vsel vm15, $0x175, v8;
	v7 =	vsel vm15, $0x12F, v7  }
0x3a: {  	s13 =	sadd.s32 $0x1, s11;
	s14 =	smax.u32 s2, $0x1;
	s2 =	simm.s32 $0x1;
	v47 =	vadd.s32 $0x1C80, v23;
	v8 =	vsel vm0, $0x176, v8;
	v7 =	vsel vm0, $0x142, v7  }
.LBB2_1:
0x3b: {  	[tilespmem:s15], [sflag:$0x3] =	stream.linear.gather [hbm4b:s10+s3], $0x200, $0x38;
	[tilespmem:$0x5760] =	vst v63  }
0x3c: {  	_ =	swait.ge [sflag:s16], $0x200  }
0x3d: {  	[sflag:s16] =	ssyncset.done $0x0  }
0x3e: {  	s18 =	simm.s32 $0x1B60;
	[sflag:s16] =	ssyncadd.s32 $0xFFFFFE00  }
0x3f: {  	[tilespmem:s18], [sflag:$0x2] =	stream.indirect.gather [hbm4b:s4+s17], $0x1, s15, s17, $0xb8;
	[tilespmem:$0x5760] =	vst v63  }
0x40: {  	s19 =	simm.s32 $0x1D60  }
0x41: {  	[tilespmem:s19], [sflag:$0x2] =	stream.indirect.gather [hbm4b:s5+s17], $0x1, s15, s17, $0xb8;
	[tilespmem:$0x5760] =	vst v63  }
0x42: {  	_ = 	snop  }
0x43: {  	[tilespmem:s20], [sflag:$0x2] =	stream.indirect.gather [hbm4b:s6+s17], $0x1, s15, s17, $0xb8;
	[tilespmem:$0x5760] =	vst v63  }
0x44: {  	_ = 	snop  }
0x45: {  	[tilespmem:s21], [sflag:$0x2] =	stream.indirect.gather [hbm4b:s7+s17], $0x1, s15, s17, $0xb8;
	[tilespmem:$0x5760] =	vst v63  }
0x46: {  	_ = 	snop  }
0x47: {  	[tilespmem:s22], [sflag:$0x2] =	stream.indirect.gather [hbm4b:s8+s17], $0x1, s15, s17, $0xb8;
	[tilespmem:$0x5760] =	vst v63  }
0x48: {  	_ = 	snop  }
0x49: {  	[tilespmem:s23], [sflag:$0x2] =	stream.indirect.gather [hbm4b:s9+s17], $0x1, s15, s17, $0xb8;
	[tilespmem:$0x5760] =	vst v63  }
0x4a: {  	_ = 	snop  }
0x4b: {  	[tilespmem:s3], [sflag:$0x3] =	stream.linear.gather [hbm4b:s12+s3], $0x800, $0x38;
	[tilespmem:$0x5760] =	vst v63  }
0x4c: {  	_ =	swait.ge [sflag:s16], $0x800  }
0x4d: {  	[sflag:s16] =	ssyncset.done $0x0  }
0x4e: {  	[sflag:s16] =	ssyncadd.s32 $0xFFFFF800  }
0x4f: {  	[tilespmem:s24], [sflag:$0x3] =	stream.linear.gather [hbm4b:s0+s3], $0x160, $0x38;
	[tilespmem:$0x5760] =	vst v63  }
0x50: {  	_ =	swait.ge [sflag:s16], $0x160  }
0x51: {  	[sflag:s16] =	ssyncset.done $0x0  }
0x52: {  	v48 =	vmov v9;
	s18 =	simm.s32 $0xFFFFFFF8;
	[sflag:s16] =	ssyncadd.s32 $0xFFFFFEA0  }
.LBB2_2:
0x53: {  	_ =	sdelay $0x3  }
0x54: {  	v49 =	vld.idx.msk [tilespmem:v48+s3+$0x0], $0xffff;
	_ =	sdelay $0x4  }
0x55: {  	v49 =	vshll.u32 v49, $0x3  }
0x56: {  	v49 =	vor.u32 v10, v49;
	_ =	sdelay $0x3  }
0x57: {  	v50 =	vshll.u32 v48, $0x3  }
0x58: {  	v50 =	vor.u32 v10, v50;
	v49 =	vld.idx.msk [tilespmem:v49+s24+$0x0], $0xffff  }
0x59: {  	v51 =	vadd.s32 $0x2, v48;
	_ =	sdelay $0x3  }
0x5a: {  	[tilespmem:v50+s25+$0x0] =	vst.idx.msk $0xffff, v49  }
0x5b: {  	v49 =	vld.idx.msk [tilespmem:v51+s3+$0x0], $0xffff;
	_ =	sdelay $0x4  }
0x5c: {  	v49 =	vshll.u32 v49, $0x3  }
0x5d: {  	v49 =	vor.u32 v10, v49;
	_ =	sdelay $0x3  }
0x5e: {  	v62 =	vshll.u32 v51, $0x3  }
0x5f: {  	v50 =	vor.u32 v10, v62;
	v49 =	vld.idx.msk [tilespmem:v49+s24+$0x0], $0xffff  }
0x60: {  	v63 =	vadd.s32 $0x4, v48;
	_ =	sdelay $0x3  }
0x61: {  	[tilespmem:v50+s25+$0x0] =	vst.idx.msk $0xffff, v49  }
0x62: {  	v49 =	vld.idx.msk [tilespmem:v63+s3+$0x0], $0xffff;
	_ =	sdelay $0x4  }
0x63: {  	v49 =	vshll.u32 v49, $0x3  }
0x64: {  	v49 =	vor.u32 v10, v49;
	_ =	sdelay $0x3  }
0x65: {  	v53 =	vshll.u32 v63, $0x3  }
0x66: {  	v50 =	vor.u32 v10, v53;
	v49 =	vld.idx.msk [tilespmem:v49+s24+$0x0], $0xffff  }
0x67: {  	v54 =	vadd.s32 $0x6, v48;
	_ =	sdelay $0x3  }
0x68: {  	[tilespmem:v50+s25+$0x0] =	vst.idx.msk $0xffff, v49  }
0x69: {  	v49 =	vld.idx.msk [tilespmem:v54+s3+$0x0], $0xffff;
	_ =	sdelay $0x4  }
0x6a: {  	v49 =	vshll.u32 v49, $0x3  }
0x6b: {  	v49 =	vor.u32 v10, v49;
	_ =	sdelay $0x3  }
0x6c: {  	v55 =	vshll.u32 v54, $0x3  }
0x6d: {  	v50 =	vor.u32 v10, v55;
	v49 =	vld.idx.msk [tilespmem:v49+s24+$0x0], $0xffff  }
0x6e: {  	v56 =	vadd.s32 $0x8, v48;
	_ =	sdelay $0x3  }
0x6f: {  	[tilespmem:v50+s25+$0x0] =	vst.idx.msk $0xffff, v49  }
0x70: {  	v49 =	vld.idx.msk [tilespmem:v56+s3+$0x0], $0xffff;
	_ =	sdelay $0x4  }
0x71: {  	v49 =	vshll.u32 v49, $0x3  }
0x72: {  	v49 =	vor.u32 v10, v49;
	_ =	sdelay $0x3  }
0x73: {  	v57 =	vshll.u32 v56, $0x3  }
0x74: {  	v50 =	vor.u32 v10, v57;
	v49 =	vld.idx.msk [tilespmem:v49+s24+$0x0], $0xffff  }
0x75: {  	v58 =	vadd.s32 $0xA, v48;
	_ =	sdelay $0x3  }
0x76: {  	[tilespmem:v50+s25+$0x0] =	vst.idx.msk $0xffff, v49  }
0x77: {  	v49 =	vld.idx.msk [tilespmem:v58+s3+$0x0], $0xffff;
	_ =	sdelay $0x4  }
0x78: {  	v49 =	vshll.u32 v49, $0x3  }
0x79: {  	v49 =	vor.u32 v10, v49;
	_ =	sdelay $0x3  }
0x7a: {  	v59 =	vshll.u32 v58, $0x3  }
0x7b: {  	v50 =	vor.u32 v10, v59;
	v49 =	vld.idx.msk [tilespmem:v49+s24+$0x0], $0xffff  }
0x7c: {  	v60 =	vadd.s32 $0xC, v48;
	_ =	sdelay $0x3  }
0x7d: {  	[tilespmem:v50+s25+$0x0] =	vst.idx.msk $0xffff, v49  }
0x7e: {  	v49 =	vld.idx.msk [tilespmem:v60+s3+$0x0], $0xffff;
	_ =	sdelay $0x4  }
0x7f: {  	v49 =	vshll.u32 v49, $0x3  }
0x80: {  	v49 =	vor.u32 v10, v49;
	_ =	sdelay $0x3  }
0x81: {  	v61 =	vshll.u32 v60, $0x3  }
0x82: {  	v50 =	vor.u32 v10, v61;
	v49 =	vld.idx.msk [tilespmem:v49+s24+$0x0], $0xffff  }
0x83: {  	v62 =	vadd.s32 $0xE, v48;
	_ =	sdelay $0x3  }
0x84: {  	[tilespmem:v50+s25+$0x0] =	vst.idx.msk $0xffff, v49  }
0x85: {  	v49 =	vld.idx.msk [tilespmem:v62+s3+$0x0], $0xffff;
	_ =	sdelay $0x4  }
0x86: {  	v49 =	vshll.u32 v49, $0x3  }
0x87: {  	v49 =	vor.u32 v10, v49;
	_ =	sdelay $0x3  }
0x88: {  	s18 =	sadd.s32 $0x8, s18;
	v63 =	vshll.u32 v62, $0x3  }
0x89: {  	p0 =	slt.u32 s18, $0xF8;
	v50 =	vor.u32 v10, v63;
	v49 =	vld.idx.msk [tilespmem:v49+s24+$0x0], $0xffff  }
.Ltmp0:
0x8a: {  	_ = 	snop;
	(pc) =	sbr.rel @p0 .LBB2_2-.Ltmp0, $2  }
0x8b: {  	_ =	sdelay $0x2  }
0x8c: {  	v48 =	vadd.s32 $0x10, v48;
	[tilespmem:v50+s25+$0x0] =	vst.idx.msk $0xffff, v49  }
0x8d: {  	[hbm4b:s11+s26] =	stream.strided.scatter [tilespmem:s25], [sflag:$0x1], $0x1000, s28, s26, $0x38;
	[tilespmem:$0x5760] =	vst v63  }
0x8e: {  	s19 =	simm.s32 $0xFFFFFFFC;
	v49 =	vmov v11  }
.LBB2_4:
0x8f: {  	v48 =	vadd.s32 $0x200, v49;
	_ =	sdelay $0x4  }
0x90: {  	v48 =	vld.idx.msk [tilespmem:v48+s3+$0x0], $0xffff;
	_ =	sdelay $0x4  }
0x91: {  	v48 =	vshll.u32 v48, $0x3  }
0x92: {  	v48 =	vadd.s32 v12, v48;
	_ =	sdelay $0x2  }
0x93: {  	v50 =	vmul.u32 $0x18, v49;
	_ =	sdelay $0x1  }
0x94: {  	v51 =	vadd.s32 v13, v50;
	v48 =	vld.idx.msk [tilespmem:v48+s24+$0x0], $0xffff  }
0x95: {  	v52 =	vadd.s32 $0x204, v49;
	_ =	sdelay $0x3  }
0x96: {  	[tilespmem:v51+s29+$0x0] =	vst.idx.msk $0xffff, v48  }
0x97: {  	v48 =	vld.idx.msk [tilespmem:v52+s3+$0x0], $0xffff;
	_ =	sdelay $0x4  }
0x98: {  	v48 =	vshll.u32 v48, $0x3  }
0x99: {  	v48 =	vadd.s32 v12, v48;
	_ =	sdelay $0x4  }
0x9a: {  	v60 =	vadd.s32 v14, v50;
	v48 =	vld.idx.msk [tilespmem:v48+s24+$0x0], $0xffff  }
0x9b: {  	v61 =	vadd.s32 $0x208, v49;
	_ =	sdelay $0x3  }
0x9c: {  	[tilespmem:v60+s29+$0x0] =	vst.idx.msk $0xffff, v48  }
0x9d: {  	v48 =	vld.idx.msk [tilespmem:v61+s3+$0x0], $0xffff;
	_ =	sdelay $0x4  }
0x9e: {  	v48 =	vshll.u32 v48, $0x3  }
0x9f: {  	v48 =	vadd.s32 v12, v48;
	_ =	sdelay $0x4  }
0xa0: {  	v62 =	vadd.s32 v17, v50;
	v48 =	vld.idx.msk [tilespmem:v48+s24+$0x0], $0xffff  }
0xa1: {  	v63 =	vadd.s32 $0x20C, v49;
	_ =	sdelay $0x3  }
0xa2: {  	[tilespmem:v62+s29+$0x0] =	vst.idx.msk $0xffff, v48  }
0xa3: {  	v48 =	vld.idx.msk [tilespmem:v63+s3+$0x0], $0xffff;
	_ =	sdelay $0x4  }
0xa4: {  	v48 =	vshll.u32 v48, $0x3  }
0xa5: {  	v48 =	vadd.s32 v12, v48;
	_ =	sdelay $0x3  }
0xa6: {  	s19 =	sadd.s32 $0x4, s19  }
0xa7: {  	p0 =	slt.u32 s19, $0x7C;
	v50 =	vadd.s32 v18, v50;
	v48 =	vld.idx.msk [tilespmem:v48+s24+$0x0], $0xffff  }
.Ltmp1:
0xa8: {  	_ = 	snop;
	(pc) =	sbr.rel @p0 .LBB2_4-.Ltmp1, $2  }
0xa9: {  	_ =	sdelay $0x2  }
0xaa: {  	v49 =	vadd.s32 $0x10, v49;
	s18 =	simm.s32 $0xFFFFFFFE;
	[tilespmem:v50+s29+$0x0] =	vst.idx.msk $0xffff, v48;
	v48 =	vimm.s32 $0x0  }
.LBB2_5:
0xab: {  	v49 =	vadd.s32 v0, v48;
	_ =	sdelay $0x4  }
0xac: {  	v49 =	vld.idx.msk [tilespmem:v49+s3+$0x0], $0xffff;
	_ =	sdelay $0x4  }
0xad: {  	v49 =	vshll.u32 v49, $0x3  }
0xae: {  	v49 =	vadd.s32 v15, v49;
	_ =	sdelay $0x2  }
0xaf: {  	v50 =	vmul.u32 $0x18, v48;
	_ =	sdelay $0x1  }
0xb0: {  	v51 =	vor.u32 v6, v50;
	v49 =	vld.idx.msk [tilespmem:v49+s24+$0x0], $0xffff  }
0xb1: {  	v52 =	vadd.s32 v2, v48;
	_ =	sdelay $0x3  }
0xb2: {  	[tilespmem:v51+s29+$0x0] =	vst.idx.msk $0xffff, v49  }
0xb3: {  	v49 =	vld.idx.msk [tilespmem:v52+s3+$0x0], $0xffff;
	_ =	sdelay $0x4  }
0xb4: {  	v49 =	vshll.u32 v49, $0x3  }
0xb5: {  	v49 =	vadd.s32 v16, v49;
	_ =	sdelay $0x4  }
0xb6: {  	v56 =	vadd.s32 v19, v50;
	v49 =	vld.idx.msk [tilespmem:v49+s24+$0x0], $0xffff  }
0xb7: {  	v57 =	vadd.s32 v4, v48;
	_ =	sdelay $0x3  }
0xb8: {  	[tilespmem:v56+s29+$0x0] =	vst.idx.msk $0xffff, v49  }
0xb9: {  	v49 =	vld.idx.msk [tilespmem:v57+s3+$0x0], $0xffff;
	_ =	sdelay $0x4  }
0xba: {  	v49 =	vshll.u32 v49, $0x3  }
0xbb: {  	v49 =	vadd.s32 v20, v49;
	_ =	sdelay $0x4  }
0xbc: {  	v58 =	vadd.s32 v21, v50;
	v49 =	vld.idx.msk [tilespmem:v49+s24+$0x0], $0xffff  }
0xbd: {  	v59 =	vadd.s32 v1, v48;
	_ =	sdelay $0x3  }
0xbe: {  	[tilespmem:v58+s29+$0x0] =	vst.idx.msk $0xffff, v49  }
0xbf: {  	v49 =	vld.idx.msk [tilespmem:v59+s3+$0x0], $0xffff;
	_ =	sdelay $0x4  }
0xc0: {  	v49 =	vshll.u32 v49, $0x3  }
0xc1: {  	v49 =	vadd.s32 v15, v49;
	_ =	sdelay $0x4  }
0xc2: {  	v60 =	vadd.s32 v22, v50;
	v49 =	vld.idx.msk [tilespmem:v49+s24+$0x0], $0xffff  }
0xc3: {  	v61 =	vadd.s32 v3, v48;
	_ =	sdelay $0x3  }
0xc4: {  	[tilespmem:v60+s29+$0x0] =	vst.idx.msk $0xffff, v49  }
0xc5: {  	v49 =	vld.idx.msk [tilespmem:v61+s3+$0x0], $0xffff;
	_ =	sdelay $0x4  }
0xc6: {  	v49 =	vshll.u32 v49, $0x3  }
0xc7: {  	v49 =	vadd.s32 v16, v49;
	_ =	sdelay $0x4  }
0xc8: {  	v62 =	vadd.s32 v7, v50;
	v49 =	vld.idx.msk [tilespmem:v49+s24+$0x0], $0xffff  }
0xc9: {  	v63 =	vadd.s32 v5, v48;
	_ =	sdelay $0x3  }
0xca: {  	[tilespmem:v62+s29+$0x0] =	vst.idx.msk $0xffff, v49  }
0xcb: {  	v49 =	vld.idx.msk [tilespmem:v63+s3+$0x0], $0xffff;
	_ =	sdelay $0x4  }
0xcc: {  	v49 =	vshll.u32 v49, $0x3  }
0xcd: {  	v49 =	vadd.s32 v20, v49;
	_ =	sdelay $0x3  }
0xce: {  	s18 =	sadd.s32 $0x2, s18  }
0xcf: {  	p0 =	slt.u32 s18, $0x3E;
	v50 =	vadd.s32 v8, v50;
	v49 =	vld.idx.msk [tilespmem:v49+s24+$0x0], $0xffff  }
.Ltmp2:
0xd0: {  	_ = 	snop;
	(pc) =	sbr.rel @p0 .LBB2_5-.Ltmp2, $2  }
0xd1: {  	_ =	sdelay $0x2  }
0xd2: {  	v48 =	vadd.s32 $0x10, v48;
	s19 =	simm.s32 $0xFFFFFFFC;
	[tilespmem:v50+s29+$0x0] =	vst.idx.msk $0xffff, v49  }
0xd3: {  	v48 =	vmov v11  }
.LBB2_7:
0xd4: {  	v49 =	vadd.s32 $0x600, v48;
	_ =	sdelay $0x4  }
0xd5: {  	v49 =	vld.idx.msk [tilespmem:v49+s3+$0x0], $0xffff;
	_ =	sdelay $0x4  }
0xd6: {  	v49 =	vshll.u32 v49, $0x3  }
0xd7: {  	v49 =	vadd.s32 v24, v49;
	_ =	sdelay $0x2  }
0xd8: {  	v50 =	vmul.u32 $0x18, v48;
	_ =	sdelay $0x1  }
0xd9: {  	v51 =	vadd.s32 v25, v50;
	v49 =	vld.idx.msk [tilespmem:v49+s24+$0x0], $0xffff  }
0xda: {  	v52 =	vadd.s32 $0x604, v48;
	_ =	sdelay $0x3  }
0xdb: {  	[tilespmem:v51+s29+$0x0] =	vst.idx.msk $0xffff, v49  }
0xdc: {  	v49 =	vld.idx.msk [tilespmem:v52+s3+$0x0], $0xffff;
	_ =	sdelay $0x4  }
0xdd: {  	v49 =	vshll.u32 v49, $0x3  }
0xde: {  	v49 =	vadd.s32 v24, v49;
	_ =	sdelay $0x4  }
0xdf: {  	v60 =	vadd.s32 v26, v50;
	v49 =	vld.idx.msk [tilespmem:v49+s24+$0x0], $0xffff  }
0xe0: {  	v61 =	vadd.s32 $0x608, v48;
	_ =	sdelay $0x3  }
0xe1: {  	[tilespmem:v60+s29+$0x0] =	vst.idx.msk $0xffff, v49  }
0xe2: {  	v49 =	vld.idx.msk [tilespmem:v61+s3+$0x0], $0xffff;
	_ =	sdelay $0x4  }
0xe3: {  	v49 =	vshll.u32 v49, $0x3  }
0xe4: {  	v49 =	vadd.s32 v24, v49;
	_ =	sdelay $0x4  }
0xe5: {  	v62 =	vadd.s32 v27, v50;
	v49 =	vld.idx.msk [tilespmem:v49+s24+$0x0], $0xffff  }
0xe6: {  	v63 =	vadd.s32 $0x60C, v48;
	_ =	sdelay $0x3  }
0xe7: {  	[tilespmem:v62+s29+$0x0] =	vst.idx.msk $0xffff, v49  }
0xe8: {  	v49 =	vld.idx.msk [tilespmem:v63+s3+$0x0], $0xffff;
	_ =	sdelay $0x4  }
0xe9: {  	v49 =	vshll.u32 v49, $0x3  }
0xea: {  	v49 =	vadd.s32 v24, v49;
	_ =	sdelay $0x3  }
0xeb: {  	s19 =	sadd.s32 $0x4, s19  }
0xec: {  	p0 =	slt.u32 s19, $0x7C;
	v50 =	vadd.s32 v28, v50;
	v49 =	vld.idx.msk [tilespmem:v49+s24+$0x0], $0xffff  }
.Ltmp3:
0xed: {  	_ = 	snop;
	(pc) =	sbr.rel @p0 .LBB2_7-.Ltmp3, $2  }
0xee: {  	_ =	sdelay $0x2  }
0xef: {  	v48 =	vadd.s32 $0x10, v48;
	[tilespmem:v50+s29+$0x0] =	vst.idx.msk $0xffff, v49  }
0xf0: {  	_ =	swait.ge [sflag:s30], $0x200  }
0xf1: {  	[sflag:s30] =	ssyncset.done $0x0  }
0xf2: {  	[sflag:s30] =	ssyncadd.s32 $0xFFFFFE00  }
0xf3: {  	v48 =	vld [tilespmem:$0x1B60];
	_ =	sdelay $0x4  }
0xf4: {  	[tilespmem:v23+s29+$0x0] =	vst.idx.msk $0xffff, v48  }
0xf5: {  	v48 =	vld [tilespmem:$0x1B70];
	_ =	sdelay $0x4  }
0xf6: {  	[tilespmem:v29+s29+$0x0] =	vst.idx.msk $0xffff, v48  }
0xf7: {  	v48 =	vld [tilespmem:$0x1B80];
	_ =	sdelay $0x4  }
0xf8: {  	[tilespmem:v30+s29+$0x0] =	vst.idx.msk $0xffff, v48  }
0xf9: {  	v48 =	vld [tilespmem:$0x1B90];
	_ =	sdelay $0x4  }
0xfa: {  	[tilespmem:v31+s29+$0x0] =	vst.idx.msk $0xffff, v48  }
0xfb: {  	v48 =	vld [tilespmem:$0x1BA0];
	_ =	sdelay $0x4  }
0xfc: {  	[tilespmem:v32+s29+$0x0] =	vst.idx.msk $0xffff, v48  }
0xfd: {  	v48 =	vld [tilespmem:$0x1BB0];
	_ =	sdelay $0x4  }
0xfe: {  	[tilespmem:v33+s29+$0x0] =	vst.idx.msk $0xffff, v48  }
0xff: {  	v48 =	vld [tilespmem:$0x1BC0];
	_ =	sdelay $0x4  }
0x100: {  	[tilespmem:v34+s29+$0x0] =	vst.idx.msk $0xffff, v48  }
0x101: {  	v48 =	vld [tilespmem:$0x1BD0];
	_ =	sdelay $0x4  }
0x102: {  	[tilespmem:v35+s29+$0x0] =	vst.idx.msk $0xffff, v48  }
0x103: {  	v48 =	vld [tilespmem:$0x1BE0];
	_ =	sdelay $0x4  }
0x104: {  	[tilespmem:v36+s29+$0x0] =	vst.idx.msk $0xffff, v48  }
0x105: {  	v48 =	vld [tilespmem:$0x1BF0];
	_ =	sdelay $0x4  }
0x106: {  	[tilespmem:v37+s29+$0x0] =	vst.idx.msk $0xffff, v48  }
0x107: {  	v48 =	vld [tilespmem:$0x1C00];
	_ =	sdelay $0x4  }
0x108: {  	[tilespmem:v38+s29+$0x0] =	vst.idx.msk $0xffff, v48  }
0x109: {  	v48 =	vld [tilespmem:$0x1C10];
	_ =	sdelay $0x4  }
0x10a: {  	[tilespmem:v39+s29+$0x0] =	vst.idx.msk $0xffff, v48  }
0x10b: {  	v48 =	vld [tilespmem:$0x1C20];
	_ =	sdelay $0x4  }
0x10c: {  	[tilespmem:v40+s29+$0x0] =	vst.idx.msk $0xffff, v48  }
0x10d: {  	v48 =	vld [tilespmem:$0x1C30];
	_ =	sdelay $0x4  }
0x10e: {  	[tilespmem:v41+s29+$0x0] =	vst.idx.msk $0xffff, v48  }
0x10f: {  	v48 =	vld [tilespmem:$0x1C40];
	_ =	sdelay $0x4  }
0x110: {  	[tilespmem:v42+s29+$0x0] =	vst.idx.msk $0xffff, v48  }
0x111: {  	v48 =	vld [tilespmem:$0x1C50];
	_ =	sdelay $0x4  }
0x112: {  	[tilespmem:v43+s29+$0x0] =	vst.idx.msk $0xffff, v48  }
0x113: {  	v48 =	vld [tilespmem:$0x1C60];
	_ =	sdelay $0x4  }
0x114: {  	[tilespmem:v44+s29+$0x0] =	vst.idx.msk $0xffff, v48  }
0x115: {  	v48 =	vld [tilespmem:$0x1C70];
	_ =	sdelay $0x4  }
0x116: {  	[tilespmem:v45+s29+$0x0] =	vst.idx.msk $0xffff, v48  }
0x117: {  	v48 =	vld [tilespmem:$0x1C80];
	_ =	sdelay $0x4  }
0x118: {  	[tilespmem:v46+s29+$0x0] =	vst.idx.msk $0xffff, v48  }
0x119: {  	v48 =	vld [tilespmem:$0x1C90];
	_ =	sdelay $0x4  }
0x11a: {  	[tilespmem:v47+s29+$0x0] =	vst.idx.msk $0xffff, v48  }
0x11b: {  	v49 =	vor.u32 $0x1E00, v23;
	v48 =	vld [tilespmem:$0x1CA0];
	_ =	sdelay $0x4  }
0x11c: {  	[tilespmem:v49+s29+$0x0] =	vst.idx.msk $0xffff, v48  }
0x11d: {  	v56 =	vadd.s32 $0x1F80, v23;
	v48 =	vld [tilespmem:$0x1CB0];
	_ =	sdelay $0x4  }
0x11e: {  	[tilespmem:v56+s29+$0x0] =	vst.idx.msk $0xffff, v48  }
0x11f: {  	v57 =	vadd.s32 $0x2100, v23;
	v48 =	vld [tilespmem:$0x1CC0];
	_ =	sdelay $0x4  }
0x120: {  	[tilespmem:v57+s29+$0x0] =	vst.idx.msk $0xffff, v48  }
0x121: {  	v58 =	vadd.s32 $0x2280, v23;
	v48 =	vld [tilespmem:$0x1CD0];
	_ =	sdelay $0x4  }
0x122: {  	[tilespmem:v58+s29+$0x0] =	vst.idx.msk $0xffff, v48  }
0x123: {  	v59 =	vor.u32 $0x2400, v23;
	v48 =	vld [tilespmem:$0x1CE0];
	_ =	sdelay $0x4  }
0x124: {  	[tilespmem:v59+s29+$0x0] =	vst.idx.msk $0xffff, v48  }
0x125: {  	v60 =	vadd.s32 $0x2580, v23;
	v48 =	vld [tilespmem:$0x1CF0];
	_ =	sdelay $0x4  }
0x126: {  	[tilespmem:v60+s29+$0x0] =	vst.idx.msk $0xffff, v48  }
0x127: {  	v61 =	vadd.s32 $0x2700, v23;
	v48 =	vld [tilespmem:$0x1D00];
	_ =	sdelay $0x4  }
0x128: {  	[tilespmem:v61+s29+$0x0] =	vst.idx.msk $0xffff, v48  }
0x129: {  	v62 =	vadd.s32 $0x2880, v23;
	v48 =	vld [tilespmem:$0x1D10];
	_ =	sdelay $0x4  }
0x12a: {  	[tilespmem:v62+s29+$0x0] =	vst.idx.msk $0xffff, v48  }
0x12b: {  	v63 =	vor.u32 $0x2A00, v23;
	v48 =	vld [tilespmem:$0x1D20];
	_ =	sdelay $0x4  }
0x12c: {  	[tilespmem:v63+s29+$0x0] =	vst.idx.msk $0xffff, v48  }
0x12d: {  	v52 =	vadd.s32 $0x2B80, v23;
	v48 =	vld [tilespmem:$0x1D30];
	_ =	sdelay $0x4  }
0x12e: {  	[tilespmem:v52+s29+$0x0] =	vst.idx.msk $0xffff, v48  }
0x12f: {  	v53 =	vadd.s32 $0x2D00, v23;
	v48 =	vld [tilespmem:$0x1D40];
	_ =	sdelay $0x4  }
0x130: {  	[tilespmem:v53+s29+$0x0] =	vst.idx.msk $0xffff, v48  }
0x131: {  	v54 =	vadd.s32 $0x2E80, v23;
	v48 =	vld [tilespmem:$0x1D50];
	_ =	sdelay $0x4  }
0x132: {  	[tilespmem:v54+s29+$0x0] =	vst.idx.msk $0xffff, v48  }
0x133: {  	_ =	swait.ge [sflag:s30], $0x200  }
0x134: {  	[sflag:s30] =	ssyncset.done $0x0  }
0x135: {  	[sflag:s30] =	ssyncadd.s32 $0xFFFFFE00  }
0x136: {  	v56 =	vor.u32 $0x1, v23;
	v55 =	vld [tilespmem:$0x1D60];
	_ =	sdelay $0x4  }
0x137: {  	[tilespmem:v56+s29+$0x0] =	vst.idx.msk $0xffff, v55  }
0x138: {  	v57 =	vadd.s32 $0x181, v23;
	v48 =	vld [tilespmem:$0x1D70];
	_ =	sdelay $0x4  }
0x139: {  	[tilespmem:v57+s29+$0x0] =	vst.idx.msk $0xffff, v48  }
0x13a: {  	v58 =	vadd.s32 $0x301, v23;
	v48 =	vld [tilespmem:$0x1D80];
	_ =	sdelay $0x4  }
0x13b: {  	[tilespmem:v58+s29+$0x0] =	vst.idx.msk $0xffff, v48  }
0x13c: {  	v59 =	vadd.s32 $0x481, v23;
	v48 =	vld [tilespmem:$0x1D90];
	_ =	sdelay $0x4  }
0x13d: {  	[tilespmem:v59+s29+$0x0] =	vst.idx.msk $0xffff, v48  }
0x13e: {  	v60 =	vor.u32 $0x601, v23;
	v48 =	vld [tilespmem:$0x1DA0];
	_ =	sdelay $0x4  }
0x13f: {  	[tilespmem:v60+s29+$0x0] =	vst.idx.msk $0xffff, v48  }
0x140: {  	v61 =	vadd.s32 $0x781, v23;
	v48 =	vld [tilespmem:$0x1DB0];
	_ =	sdelay $0x4  }
0x141: {  	[tilespmem:v61+s29+$0x0] =	vst.idx.msk $0xffff, v48  }
0x142: {  	v62 =	vadd.s32 $0x901, v23;
	v48 =	vld [tilespmem:$0x1DC0];
	_ =	sdelay $0x4  }
0x143: {  	[tilespmem:v62+s29+$0x0] =	vst.idx.msk $0xffff, v48  }
0x144: {  	v63 =	vadd.s32 $0xA81, v23;
	v48 =	vld [tilespmem:$0x1DD0];
	_ =	sdelay $0x4  }
0x145: {  	[tilespmem:v63+s29+$0x0] =	vst.idx.msk $0xffff, v48  }
0x146: {  	v52 =	vor.u32 $0xC01, v23;
	v48 =	vld [tilespmem:$0x1DE0];
	_ =	sdelay $0x4  }
0x147: {  	[tilespmem:v52+s29+$0x0] =	vst.idx.msk $0xffff, v48  }
0x148: {  	v53 =	vadd.s32 $0xD81, v23;
	v48 =	vld [tilespmem:$0x1DF0];
	_ =	sdelay $0x4  }
0x149: {  	[tilespmem:v53+s29+$0x0] =	vst.idx.msk $0xffff, v48  }
0x14a: {  	v54 =	vadd.s32 $0xF01, v23;
	v48 =	vld [tilespmem:$0x1E00];
	_ =	sdelay $0x4  }
0x14b: {  	[tilespmem:v54+s29+$0x0] =	vst.idx.msk $0xffff, v48  }
0x14c: {  	v55 =	vadd.s32 $0x1081, v23;
	v48 =	vld [tilespmem:$0x1E10];
	_ =	sdelay $0x4  }
0x14d: {  	[tilespmem:v55+s29+$0x0] =	vst.idx.msk $0xffff, v48  }
0x14e: {  	v56 =	vor.u32 $0x1201, v23;
	v48 =	vld [tilespmem:$0x1E20];
	_ =	sdelay $0x4  }
0x14f: {  	[tilespmem:v56+s29+$0x0] =	vst.idx.msk $0xffff, v48  }
0x150: {  	v57 =	vadd.s32 $0x1381, v23;
	v48 =	vld [tilespmem:$0x1E30];
	_ =	sdelay $0x4  }
0x151: {  	[tilespmem:v57+s29+$0x0] =	vst.idx.msk $0xffff, v48  }
0x152: {  	v58 =	vadd.s32 $0x1501, v23;
	v48 =	vld [tilespmem:$0x1E40];
	_ =	sdelay $0x4  }
0x153: {  	[tilespmem:v58+s29+$0x0] =	vst.idx.msk $0xffff, v48  }
0x154: {  	v59 =	vadd.s32 $0x1681, v23;
	v48 =	vld [tilespmem:$0x1E50];
	_ =	sdelay $0x4  }
0x155: {  	[tilespmem:v59+s29+$0x0] =	vst.idx.msk $0xffff, v48  }
0x156: {  	v60 =	vor.u32 $0x1801, v23;
	v48 =	vld [tilespmem:$0x1E60];
	_ =	sdelay $0x4  }
0x157: {  	[tilespmem:v60+s29+$0x0] =	vst.idx.msk $0xffff, v48  }
0x158: {  	v61 =	vadd.s32 $0x1981, v23;
	v48 =	vld [tilespmem:$0x1E70];
	_ =	sdelay $0x4  }
0x159: {  	[tilespmem:v61+s29+$0x0] =	vst.idx.msk $0xffff, v48  }
0x15a: {  	v62 =	vadd.s32 $0x1B01, v23;
	v48 =	vld [tilespmem:$0x1E80];
	_ =	sdelay $0x4  }
0x15b: {  	[tilespmem:v62+s29+$0x0] =	vst.idx.msk $0xffff, v48  }
0x15c: {  	v63 =	vadd.s32 $0x1C81, v23;
	v48 =	vld [tilespmem:$0x1E90];
	_ =	sdelay $0x4  }
0x15d: {  	[tilespmem:v63+s29+$0x0] =	vst.idx.msk $0xffff, v48  }
0x15e: {  	v52 =	vor.u32 $0x1E01, v23;
	v48 =	vld [tilespmem:$0x1EA0];
	_ =	sdelay $0x4  }
0x15f: {  	[tilespmem:v52+s29+$0x0] =	vst.idx.msk $0xffff, v48  }
0x160: {  	v53 =	vadd.s32 $0x1F81, v23;
	v48 =	vld [tilespmem:$0x1EB0];
	_ =	sdelay $0x4  }
0x161: {  	[tilespmem:v53+s29+$0x0] =	vst.idx.msk $0xffff, v48  }
0x162: {  	v54 =	vadd.s32 $0x2101, v23;
	v48 =	vld [tilespmem:$0x1EC0];
	_ =	sdelay $0x4  }
0x163: {  	[tilespmem:v54+s29+$0x0] =	vst.idx.msk $0xffff, v48  }
0x164: {  	v55 =	vadd.s32 $0x2281, v23;
	v48 =	vld [tilespmem:$0x1ED0];
	_ =	sdelay $0x4  }
0x165: {  	[tilespmem:v55+s29+$0x0] =	vst.idx.msk $0xffff, v48  }
0x166: {  	v56 =	vor.u32 $0x2401, v23;
	v48 =	vld [tilespmem:$0x1EE0];
	_ =	sdelay $0x4  }
0x167: {  	[tilespmem:v56+s29+$0x0] =	vst.idx.msk $0xffff, v48  }
0x168: {  	v57 =	vadd.s32 $0x2581, v23;
	v48 =	vld [tilespmem:$0x1EF0];
	_ =	sdelay $0x4  }
0x169: {  	[tilespmem:v57+s29+$0x0] =	vst.idx.msk $0xffff, v48  }
0x16a: {  	v58 =	vadd.s32 $0x2701, v23;
	v48 =	vld [tilespmem:$0x1F00];
	_ =	sdelay $0x4  }
0x16b: {  	[tilespmem:v58+s29+$0x0] =	vst.idx.msk $0xffff, v48  }
0x16c: {  	v59 =	vadd.s32 $0x2881, v23;
	v48 =	vld [tilespmem:$0x1F10];
	_ =	sdelay $0x4  }
0x16d: {  	[tilespmem:v59+s29+$0x0] =	vst.idx.msk $0xffff, v48  }
0x16e: {  	v60 =	vor.u32 $0x2A01, v23;
	v48 =	vld [tilespmem:$0x1F20];
	_ =	sdelay $0x4  }
0x16f: {  	[tilespmem:v60+s29+$0x0] =	vst.idx.msk $0xffff, v48  }
0x170: {  	v61 =	vadd.s32 $0x2B81, v23;
	v48 =	vld [tilespmem:$0x1F30];
	_ =	sdelay $0x4  }
0x171: {  	[tilespmem:v61+s29+$0x0] =	vst.idx.msk $0xffff, v48  }
0x172: {  	v62 =	vadd.s32 $0x2D01, v23;
	v48 =	vld [tilespmem:$0x1F40];
	_ =	sdelay $0x4  }
0x173: {  	[tilespmem:v62+s29+$0x0] =	vst.idx.msk $0xffff, v48  }
0x174: {  	v63 =	vadd.s32 $0x2E81, v23;
	v48 =	vld [tilespmem:$0x1F50];
	_ =	sdelay $0x4  }
0x175: {  	[tilespmem:v63+s29+$0x0] =	vst.idx.msk $0xffff, v48  }
0x176: {  	_ =	swait.ge [sflag:s30], $0x200  }
0x177: {  	[sflag:s30] =	ssyncset.done $0x0  }
0x178: {  	[sflag:s30] =	ssyncadd.s32 $0xFFFFFE00  }
0x179: {  	v53 =	vor.u32 $0x2, v23;
	v52 =	vld [tilespmem:$0x1F60];
	_ =	sdelay $0x4  }
0x17a: {  	[tilespmem:v53+s29+$0x0] =	vst.idx.msk $0xffff, v52  }
0x17b: {  	v54 =	vadd.s32 $0x182, v23;
	v48 =	vld [tilespmem:$0x1F70];
	_ =	sdelay $0x4  }
0x17c: {  	[tilespmem:v54+s29+$0x0] =	vst.idx.msk $0xffff, v48  }
0x17d: {  	v55 =	vadd.s32 $0x302, v23;
	v48 =	vld [tilespmem:$0x1F80];
	_ =	sdelay $0x4  }
0x17e: {  	[tilespmem:v55+s29+$0x0] =	vst.idx.msk $0xffff, v48  }
0x17f: {  	v56 =	vadd.s32 $0x482, v23;
	v48 =	vld [tilespmem:$0x1F90];
	_ =	sdelay $0x4  }
0x180: {  	[tilespmem:v56+s29+$0x0] =	vst.idx.msk $0xffff, v48  }
0x181: {  	v57 =	vor.u32 $0x602, v23;
	v48 =	vld [tilespmem:$0x1FA0];
	_ =	sdelay $0x4  }
0x182: {  	[tilespmem:v57+s29+$0x0] =	vst.idx.msk $0xffff, v48  }
0x183: {  	v58 =	vadd.s32 $0x782, v23;
	v48 =	vld [tilespmem:$0x1FB0];
	_ =	sdelay $0x4  }
0x184: {  	[tilespmem:v58+s29+$0x0] =	vst.idx.msk $0xffff, v48  }
0x185: {  	v59 =	vadd.s32 $0x902, v23;
	v48 =	vld [tilespmem:$0x1FC0];
	_ =	sdelay $0x4  }
0x186: {  	[tilespmem:v59+s29+$0x0] =	vst.idx.msk $0xffff, v48  }
0x187: {  	v60 =	vadd.s32 $0xA82, v23;
	v48 =	vld [tilespmem:$0x1FD0];
	_ =	sdelay $0x4  }
0x188: {  	[tilespmem:v60+s29+$0x0] =	vst.idx.msk $0xffff, v48  }
0x189: {  	v61 =	vor.u32 $0xC02, v23;
	v48 =	vld [tilespmem:$0x1FE0];
	_ =	sdelay $0x4  }
0x18a: {  	[tilespmem:v61+s29+$0x0] =	vst.idx.msk $0xffff, v48  }
0x18b: {  	v62 =	vadd.s32 $0xD82, v23;
	v48 =	vld [tilespmem:$0x1FF0];
	_ =	sdelay $0x4  }
0x18c: {  	[tilespmem:v62+s29+$0x0] =	vst.idx.msk $0xffff, v48  }
0x18d: {  	v63 =	vadd.s32 $0xF02, v23;
	v48 =	vld [tilespmem:$0x2000];
	_ =	sdelay $0x4  }
0x18e: {  	[tilespmem:v63+s29+$0x0] =	vst.idx.msk $0xffff, v48  }
0x18f: {  	v52 =	vadd.s32 $0x1082, v23;
	v48 =	vld [tilespmem:$0x2010];
	_ =	sdelay $0x4  }
0x190: {  	[tilespmem:v52+s29+$0x0] =	vst.idx.msk $0xffff, v48  }
0x191: {  	v53 =	vor.u32 $0x1202, v23;
	v48 =	vld [tilespmem:$0x2020];
	_ =	sdelay $0x4  }
0x192: {  	[tilespmem:v53+s29+$0x0] =	vst.idx.msk $0xffff, v48  }
0x193: {  	v54 =	vadd.s32 $0x1382, v23;
	v48 =	vld [tilespmem:$0x2030];
	_ =	sdelay $0x4  }
0x194: {  	[tilespmem:v54+s29+$0x0] =	vst.idx.msk $0xffff, v48  }
0x195: {  	v55 =	vadd.s32 $0x1502, v23;
	v48 =	vld [tilespmem:$0x2040];
	_ =	sdelay $0x4  }
0x196: {  	[tilespmem:v55+s29+$0x0] =	vst.idx.msk $0xffff, v48  }
0x197: {  	v56 =	vadd.s32 $0x1682, v23;
	v48 =	vld [tilespmem:$0x2050];
	_ =	sdelay $0x4  }
0x198: {  	[tilespmem:v56+s29+$0x0] =	vst.idx.msk $0xffff, v48  }
0x199: {  	v57 =	vor.u32 $0x1802, v23;
	v48 =	vld [tilespmem:$0x2060];
	_ =	sdelay $0x4  }
0x19a: {  	[tilespmem:v57+s29+$0x0] =	vst.idx.msk $0xffff, v48  }
0x19b: {  	v58 =	vadd.s32 $0x1982, v23;
	v48 =	vld [tilespmem:$0x2070];
	_ =	sdelay $0x4  }
0x19c: {  	[tilespmem:v58+s29+$0x0] =	vst.idx.msk $0xffff, v48  }
0x19d: {  	v59 =	vadd.s32 $0x1B02, v23;
	v48 =	vld [tilespmem:$0x2080];
	_ =	sdelay $0x4  }
0x19e: {  	[tilespmem:v59+s29+$0x0] =	vst.idx.msk $0xffff, v48  }
0x19f: {  	v60 =	vadd.s32 $0x1C82, v23;
	v48 =	vld [tilespmem:$0x2090];
	_ =	sdelay $0x4  }
0x1a0: {  	[tilespmem:v60+s29+$0x0] =	vst.idx.msk $0xffff, v48  }
0x1a1: {  	v61 =	vor.u32 $0x1E02, v23;
	v48 =	vld [tilespmem:$0x20A0];
	_ =	sdelay $0x4  }
0x1a2: {  	[tilespmem:v61+s29+$0x0] =	vst.idx.msk $0xffff, v48  }
0x1a3: {  	v62 =	vadd.s32 $0x1F82, v23;
	v48 =	vld [tilespmem:$0x20B0];
	_ =	sdelay $0x4  }
0x1a4: {  	[tilespmem:v62+s29+$0x0] =	vst.idx.msk $0xffff, v48  }
0x1a5: {  	v63 =	vadd.s32 $0x2102, v23;
	v48 =	vld [tilespmem:$0x20C0];
	_ =	sdelay $0x4  }
0x1a6: {  	[tilespmem:v63+s29+$0x0] =	vst.idx.msk $0xffff, v48  }
0x1a7: {  	v52 =	vadd.s32 $0x2282, v23;
	v48 =	vld [tilespmem:$0x20D0];
	_ =	sdelay $0x4  }
0x1a8: {  	[tilespmem:v52+s29+$0x0] =	vst.idx.msk $0xffff, v48  }
0x1a9: {  	v53 =	vor.u32 $0x2402, v23;
	v48 =	vld [tilespmem:$0x20E0];
	_ =	sdelay $0x4  }
0x1aa: {  	[tilespmem:v53+s29+$0x0] =	vst.idx.msk $0xffff, v48  }
0x1ab: {  	v54 =	vadd.s32 $0x2582, v23;
	v48 =	vld [tilespmem:$0x20F0];
	_ =	sdelay $0x4  }
0x1ac: {  	[tilespmem:v54+s29+$0x0] =	vst.idx.msk $0xffff, v48  }
0x1ad: {  	v55 =	vadd.s32 $0x2702, v23;
	v48 =	vld [tilespmem:$0x2100];
	_ =	sdelay $0x4  }
0x1ae: {  	[tilespmem:v55+s29+$0x0] =	vst.idx.msk $0xffff, v48  }
0x1af: {  	v56 =	vadd.s32 $0x2882, v23;
	v48 =	vld [tilespmem:$0x2110];
	_ =	sdelay $0x4  }
0x1b0: {  	[tilespmem:v56+s29+$0x0] =	vst.idx.msk $0xffff, v48  }
0x1b1: {  	v57 =	vor.u32 $0x2A02, v23;
	v48 =	vld [tilespmem:$0x2120];
	_ =	sdelay $0x4  }
0x1b2: {  	[tilespmem:v57+s29+$0x0] =	vst.idx.msk $0xffff, v48  }
0x1b3: {  	v58 =	vadd.s32 $0x2B82, v23;
	v48 =	vld [tilespmem:$0x2130];
	_ =	sdelay $0x4  }
0x1b4: {  	[tilespmem:v58+s29+$0x0] =	vst.idx.msk $0xffff, v48  }
0x1b5: {  	v59 =	vadd.s32 $0x2D02, v23;
	v48 =	vld [tilespmem:$0x2140];
	_ =	sdelay $0x4  }
0x1b6: {  	[tilespmem:v59+s29+$0x0] =	vst.idx.msk $0xffff, v48  }
0x1b7: {  	v60 =	vadd.s32 $0x2E82, v23;
	v48 =	vld [tilespmem:$0x2150];
	_ =	sdelay $0x4  }
0x1b8: {  	[tilespmem:v60+s29+$0x0] =	vst.idx.msk $0xffff, v48  }
0x1b9: {  	_ =	swait.ge [sflag:s30], $0x200  }
0x1ba: {  	[sflag:s30] =	ssyncset.done $0x0  }
0x1bb: {  	[sflag:s30] =	ssyncadd.s32 $0xFFFFFE00  }
0x1bc: {  	v62 =	vor.u32 $0x3, v23;
	v61 =	vld [tilespmem:$0x2160];
	_ =	sdelay $0x4  }
0x1bd: {  	[tilespmem:v62+s29+$0x0] =	vst.idx.msk $0xffff, v61  }
0x1be: {  	v63 =	vadd.s32 $0x183, v23;
	v48 =	vld [tilespmem:$0x2170];
	_ =	sdelay $0x4  }
0x1bf: {  	[tilespmem:v63+s29+$0x0] =	vst.idx.msk $0xffff, v48  }
0x1c0: {  	v52 =	vadd.s32 $0x303, v23;
	v48 =	vld [tilespmem:$0x2180];
	_ =	sdelay $0x4  }
0x1c1: {  	[tilespmem:v52+s29+$0x0] =	vst.idx.msk $0xffff, v48  }
0x1c2: {  	v53 =	vadd.s32 $0x483, v23;
	v48 =	vld [tilespmem:$0x2190];
	_ =	sdelay $0x4  }
0x1c3: {  	[tilespmem:v53+s29+$0x0] =	vst.idx.msk $0xffff, v48  }
0x1c4: {  	v54 =	vor.u32 $0x603, v23;
	v48 =	vld [tilespmem:$0x21A0];
	_ =	sdelay $0x4  }
0x1c5: {  	[tilespmem:v54+s29+$0x0] =	vst.idx.msk $0xffff, v48  }
0x1c6: {  	v55 =	vadd.s32 $0x783, v23;
	v48 =	vld [tilespmem:$0x21B0];
	_ =	sdelay $0x4  }
0x1c7: {  	[tilespmem:v55+s29+$0x0] =	vst.idx.msk $0xffff, v48  }
0x1c8: {  	v56 =	vadd.s32 $0x903, v23;
	v48 =	vld [tilespmem:$0x21C0];
	_ =	sdelay $0x4  }
0x1c9: {  	[tilespmem:v56+s29+$0x0] =	vst.idx.msk $0xffff, v48  }
0x1ca: {  	v57 =	vadd.s32 $0xA83, v23;
	v48 =	vld [tilespmem:$0x21D0];
	_ =	sdelay $0x4  }
0x1cb: {  	[tilespmem:v57+s29+$0x0] =	vst.idx.msk $0xffff, v48  }
0x1cc: {  	v58 =	vor.u32 $0xC03, v23;
	v48 =	vld [tilespmem:$0x21E0];
	_ =	sdelay $0x4  }
0x1cd: {  	[tilespmem:v58+s29+$0x0] =	vst.idx.msk $0xffff, v48  }
0x1ce: {  	v59 =	vadd.s32 $0xD83, v23;
	v48 =	vld [tilespmem:$0x21F0];
	_ =	sdelay $0x4  }
0x1cf: {  	[tilespmem:v59+s29+$0x0] =	vst.idx.msk $0xffff, v48  }
0x1d0: {  	v60 =	vadd.s32 $0xF03, v23;
	v48 =	vld [tilespmem:$0x2200];
	_ =	sdelay $0x4  }
0x1d1: {  	[tilespmem:v60+s29+$0x0] =	vst.idx.msk $0xffff, v48  }
0x1d2: {  	v61 =	vadd.s32 $0x1083, v23;
	v48 =	vld [tilespmem:$0x2210];
	_ =	sdelay $0x4  }
0x1d3: {  	[tilespmem:v61+s29+$0x0] =	vst.idx.msk $0xffff, v48  }
0x1d4: {  	v62 =	vor.u32 $0x1203, v23;
	v48 =	vld [tilespmem:$0x2220];
	_ =	sdelay $0x4  }
0x1d5: {  	[tilespmem:v62+s29+$0x0] =	vst.idx.msk $0xffff, v48  }
0x1d6: {  	v63 =	vadd.s32 $0x1383, v23;
	v48 =	vld [tilespmem:$0x2230];
	_ =	sdelay $0x4  }
0x1d7: {  	[tilespmem:v63+s29+$0x0] =	vst.idx.msk $0xffff, v48  }
0x1d8: {  	v52 =	vadd.s32 $0x1503, v23;
	v48 =	vld [tilespmem:$0x2240];
	_ =	sdelay $0x4  }
0x1d9: {  	[tilespmem:v52+s29+$0x0] =	vst.idx.msk $0xffff, v48  }
0x1da: {  	v53 =	vadd.s32 $0x1683, v23;
	v48 =	vld [tilespmem:$0x2250];
	_ =	sdelay $0x4  }
0x1db: {  	[tilespmem:v53+s29+$0x0] =	vst.idx.msk $0xffff, v48  }
0x1dc: {  	v54 =	vor.u32 $0x1803, v23;
	v48 =	vld [tilespmem:$0x2260];
	_ =	sdelay $0x4  }
0x1dd: {  	[tilespmem:v54+s29+$0x0] =	vst.idx.msk $0xffff, v48  }
0x1de: {  	v55 =	vadd.s32 $0x1983, v23;
	v48 =	vld [tilespmem:$0x2270];
	_ =	sdelay $0x4  }
0x1df: {  	[tilespmem:v55+s29+$0x0] =	vst.idx.msk $0xffff, v48  }
0x1e0: {  	v56 =	vadd.s32 $0x1B03, v23;
	v48 =	vld [tilespmem:$0x2280];
	_ =	sdelay $0x4  }
0x1e1: {  	[tilespmem:v56+s29+$0x0] =	vst.idx.msk $0xffff, v48  }
0x1e2: {  	v57 =	vadd.s32 $0x1C83, v23;
	v48 =	vld [tilespmem:$0x2290];
	_ =	sdelay $0x4  }
0x1e3: {  	[tilespmem:v57+s29+$0x0] =	vst.idx.msk $0xffff, v48  }
0x1e4: {  	v58 =	vor.u32 $0x1E03, v23;
	v48 =	vld [tilespmem:$0x22A0];
	_ =	sdelay $0x4  }
0x1e5: {  	[tilespmem:v58+s29+$0x0] =	vst.idx.msk $0xffff, v48  }
0x1e6: {  	v59 =	vadd.s32 $0x1F83, v23;
	v48 =	vld [tilespmem:$0x22B0];
	_ =	sdelay $0x4  }
0x1e7: {  	[tilespmem:v59+s29+$0x0] =	vst.idx.msk $0xffff, v48  }
0x1e8: {  	v60 =	vadd.s32 $0x2103, v23;
	v48 =	vld [tilespmem:$0x22C0];
	_ =	sdelay $0x4  }
0x1e9: {  	[tilespmem:v60+s29+$0x0] =	vst.idx.msk $0xffff, v48  }
0x1ea: {  	v61 =	vadd.s32 $0x2283, v23;
	v48 =	vld [tilespmem:$0x22D0];
	_ =	sdelay $0x4  }
0x1eb: {  	[tilespmem:v61+s29+$0x0] =	vst.idx.msk $0xffff, v48  }
0x1ec: {  	v62 =	vor.u32 $0x2403, v23;
	v48 =	vld [tilespmem:$0x22E0];
	_ =	sdelay $0x4  }
0x1ed: {  	[tilespmem:v62+s29+$0x0] =	vst.idx.msk $0xffff, v48  }
0x1ee: {  	v63 =	vadd.s32 $0x2583, v23;
	v48 =	vld [tilespmem:$0x22F0];
	_ =	sdelay $0x4  }
0x1ef: {  	[tilespmem:v63+s29+$0x0] =	vst.idx.msk $0xffff, v48  }
0x1f0: {  	v52 =	vadd.s32 $0x2703, v23;
	v48 =	vld [tilespmem:$0x2300];
	_ =	sdelay $0x4  }
0x1f1: {  	[tilespmem:v52+s29+$0x0] =	vst.idx.msk $0xffff, v48  }
0x1f2: {  	v53 =	vadd.s32 $0x2883, v23;
	v48 =	vld [tilespmem:$0x2310];
	_ =	sdelay $0x4  }
0x1f3: {  	[tilespmem:v53+s29+$0x0] =	vst.idx.msk $0xffff, v48  }
0x1f4: {  	v54 =	vor.u32 $0x2A03, v23;
	v48 =	vld [tilespmem:$0x2320];
	_ =	sdelay $0x4  }
0x1f5: {  	[tilespmem:v54+s29+$0x0] =	vst.idx.msk $0xffff, v48  }
0x1f6: {  	v55 =	vadd.s32 $0x2B83, v23;
	v48 =	vld [tilespmem:$0x2330];
	_ =	sdelay $0x4  }
0x1f7: {  	[tilespmem:v55+s29+$0x0] =	vst.idx.msk $0xffff, v48  }
0x1f8: {  	v56 =	vadd.s32 $0x2D03, v23;
	v48 =	vld [tilespmem:$0x2340];
	_ =	sdelay $0x4  }
0x1f9: {  	[tilespmem:v56+s29+$0x0] =	vst.idx.msk $0xffff, v48  }
0x1fa: {  	v57 =	vadd.s32 $0x2E83, v23;
	v48 =	vld [tilespmem:$0x2350];
	_ =	sdelay $0x4  }
0x1fb: {  	[tilespmem:v57+s29+$0x0] =	vst.idx.msk $0xffff, v48  }
0x1fc: {  	_ =	swait.ge [sflag:s30], $0x200  }
0x1fd: {  	[sflag:s30] =	ssyncset.done $0x0  }
0x1fe: {  	[sflag:s30] =	ssyncadd.s32 $0xFFFFFE00  }
0x1ff: {  	v59 =	vor.u32 $0x4, v23;
	v58 =	vld [tilespmem:$0x2360];
	_ =	sdelay $0x4  }
0x200: {  	[tilespmem:v59+s29+$0x0] =	vst.idx.msk $0xffff, v58  }
0x201: {  	v60 =	vadd.s32 $0x184, v23;
	v48 =	vld [tilespmem:$0x2370];
	_ =	sdelay $0x4  }
0x202: {  	[tilespmem:v60+s29+$0x0] =	vst.idx.msk $0xffff, v48  }
0x203: {  	v61 =	vadd.s32 $0x304, v23;
	v48 =	vld [tilespmem:$0x2380];
	_ =	sdelay $0x4  }
0x204: {  	[tilespmem:v61+s29+$0x0] =	vst.idx.msk $0xffff, v48  }
0x205: {  	v62 =	vadd.s32 $0x484, v23;
	v48 =	vld [tilespmem:$0x2390];
	_ =	sdelay $0x4  }
0x206: {  	[tilespmem:v62+s29+$0x0] =	vst.idx.msk $0xffff, v48  }
0x207: {  	v63 =	vor.u32 $0x604, v23;
	v48 =	vld [tilespmem:$0x23A0];
	_ =	sdelay $0x4  }
0x208: {  	[tilespmem:v63+s29+$0x0] =	vst.idx.msk $0xffff, v48  }
0x209: {  	v52 =	vadd.s32 $0x784, v23;
	v48 =	vld [tilespmem:$0x23B0];
	_ =	sdelay $0x4  }
0x20a: {  	[tilespmem:v52+s29+$0x0] =	vst.idx.msk $0xffff, v48  }
0x20b: {  	v53 =	vadd.s32 $0x904, v23;
	v48 =	vld [tilespmem:$0x23C0];
	_ =	sdelay $0x4  }
0x20c: {  	[tilespmem:v53+s29+$0x0] =	vst.idx.msk $0xffff, v48  }
0x20d: {  	v54 =	vadd.s32 $0xA84, v23;
	v48 =	vld [tilespmem:$0x23D0];
	_ =	sdelay $0x4  }
0x20e: {  	[tilespmem:v54+s29+$0x0] =	vst.idx.msk $0xffff, v48  }
0x20f: {  	v55 =	vor.u32 $0xC04, v23;
	v48 =	vld [tilespmem:$0x23E0];
	_ =	sdelay $0x4  }
0x210: {  	[tilespmem:v55+s29+$0x0] =	vst.idx.msk $0xffff, v48  }
0x211: {  	v56 =	vadd.s32 $0xD84, v23;
	v48 =	vld [tilespmem:$0x23F0];
	_ =	sdelay $0x4  }
0x212: {  	[tilespmem:v56+s29+$0x0] =	vst.idx.msk $0xffff, v48  }
0x213: {  	v57 =	vadd.s32 $0xF04, v23;
	v48 =	vld [tilespmem:$0x2400];
	_ =	sdelay $0x4  }
0x214: {  	[tilespmem:v57+s29+$0x0] =	vst.idx.msk $0xffff, v48  }
0x215: {  	v58 =	vadd.s32 $0x1084, v23;
	v48 =	vld [tilespmem:$0x2410];
	_ =	sdelay $0x4  }
0x216: {  	[tilespmem:v58+s29+$0x0] =	vst.idx.msk $0xffff, v48  }
0x217: {  	v59 =	vor.u32 $0x1204, v23;
	v48 =	vld [tilespmem:$0x2420];
	_ =	sdelay $0x4  }
0x218: {  	[tilespmem:v59+s29+$0x0] =	vst.idx.msk $0xffff, v48  }
0x219: {  	v60 =	vadd.s32 $0x1384, v23;
	v48 =	vld [tilespmem:$0x2430];
	_ =	sdelay $0x4  }
0x21a: {  	[tilespmem:v60+s29+$0x0] =	vst.idx.msk $0xffff, v48  }
0x21b: {  	v61 =	vadd.s32 $0x1504, v23;
	v48 =	vld [tilespmem:$0x2440];
	_ =	sdelay $0x4  }
0x21c: {  	[tilespmem:v61+s29+$0x0] =	vst.idx.msk $0xffff, v48  }
0x21d: {  	v62 =	vadd.s32 $0x1684, v23;
	v48 =	vld [tilespmem:$0x2450];
	_ =	sdelay $0x4  }
0x21e: {  	[tilespmem:v62+s29+$0x0] =	vst.idx.msk $0xffff, v48  }
0x21f: {  	v63 =	vor.u32 $0x1804, v23;
	v48 =	vld [tilespmem:$0x2460];
	_ =	sdelay $0x4  }
0x220: {  	[tilespmem:v63+s29+$0x0] =	vst.idx.msk $0xffff, v48  }
0x221: {  	v52 =	vadd.s32 $0x1984, v23;
	v48 =	vld [tilespmem:$0x2470];
	_ =	sdelay $0x4  }
0x222: {  	[tilespmem:v52+s29+$0x0] =	vst.idx.msk $0xffff, v48  }
0x223: {  	v53 =	vadd.s32 $0x1B04, v23;
	v48 =	vld [tilespmem:$0x2480];
	_ =	sdelay $0x4  }
0x224: {  	[tilespmem:v53+s29+$0x0] =	vst.idx.msk $0xffff, v48  }
0x225: {  	v54 =	vadd.s32 $0x1C84, v23;
	v48 =	vld [tilespmem:$0x2490];
	_ =	sdelay $0x4  }
0x226: {  	[tilespmem:v54+s29+$0x0] =	vst.idx.msk $0xffff, v48  }
0x227: {  	v55 =	vor.u32 $0x1E04, v23;
	v48 =	vld [tilespmem:$0x24A0];
	_ =	sdelay $0x4  }
0x228: {  	[tilespmem:v55+s29+$0x0] =	vst.idx.msk $0xffff, v48  }
0x229: {  	v56 =	vadd.s32 $0x1F84, v23;
	v48 =	vld [tilespmem:$0x24B0];
	_ =	sdelay $0x4  }
0x22a: {  	[tilespmem:v56+s29+$0x0] =	vst.idx.msk $0xffff, v48  }
0x22b: {  	v57 =	vadd.s32 $0x2104, v23;
	v48 =	vld [tilespmem:$0x24C0];
	_ =	sdelay $0x4  }
0x22c: {  	[tilespmem:v57+s29+$0x0] =	vst.idx.msk $0xffff, v48  }
0x22d: {  	v58 =	vadd.s32 $0x2284, v23;
	v48 =	vld [tilespmem:$0x24D0];
	_ =	sdelay $0x4  }
0x22e: {  	[tilespmem:v58+s29+$0x0] =	vst.idx.msk $0xffff, v48  }
0x22f: {  	v59 =	vor.u32 $0x2404, v23;
	v48 =	vld [tilespmem:$0x24E0];
	_ =	sdelay $0x4  }
0x230: {  	[tilespmem:v59+s29+$0x0] =	vst.idx.msk $0xffff, v48  }
0x231: {  	v60 =	vadd.s32 $0x2584, v23;
	v48 =	vld [tilespmem:$0x24F0];
	_ =	sdelay $0x4  }
0x232: {  	[tilespmem:v60+s29+$0x0] =	vst.idx.msk $0xffff, v48  }
0x233: {  	v61 =	vadd.s32 $0x2704, v23;
	v48 =	vld [tilespmem:$0x2500];
	_ =	sdelay $0x4  }
0x234: {  	[tilespmem:v61+s29+$0x0] =	vst.idx.msk $0xffff, v48  }
0x235: {  	v62 =	vadd.s32 $0x2884, v23;
	v48 =	vld [tilespmem:$0x2510];
	_ =	sdelay $0x4  }
0x236: {  	[tilespmem:v62+s29+$0x0] =	vst.idx.msk $0xffff, v48  }
0x237: {  	v63 =	vor.u32 $0x2A04, v23;
	v48 =	vld [tilespmem:$0x2520];
	_ =	sdelay $0x4  }
0x238: {  	[tilespmem:v63+s29+$0x0] =	vst.idx.msk $0xffff, v48  }
0x239: {  	v52 =	vadd.s32 $0x2B84, v23;
	v48 =	vld [tilespmem:$0x2530];
	_ =	sdelay $0x4  }
0x23a: {  	[tilespmem:v52+s29+$0x0] =	vst.idx.msk $0xffff, v48  }
0x23b: {  	v53 =	vadd.s32 $0x2D04, v23;
	v48 =	vld [tilespmem:$0x2540];
	_ =	sdelay $0x4  }
0x23c: {  	[tilespmem:v53+s29+$0x0] =	vst.idx.msk $0xffff, v48  }
0x23d: {  	v54 =	vadd.s32 $0x2E84, v23;
	v48 =	vld [tilespmem:$0x2550];
	_ =	sdelay $0x4  }
0x23e: {  	[tilespmem:v54+s29+$0x0] =	vst.idx.msk $0xffff, v48  }
0x23f: {  	_ =	swait.ge [sflag:s30], $0x200  }
0x240: {  	[sflag:s30] =	ssyncset.done $0x0  }
0x241: {  	[sflag:s30] =	ssyncadd.s32 $0xFFFFFE00  }
0x242: {  	v56 =	vor.u32 $0x5, v23;
	v55 =	vld [tilespmem:$0x2560];
	_ =	sdelay $0x4  }
0x243: {  	[tilespmem:v56+s29+$0x0] =	vst.idx.msk $0xffff, v55  }
0x244: {  	v57 =	vadd.s32 $0x185, v23;
	v48 =	vld [tilespmem:$0x2570];
	_ =	sdelay $0x4  }
0x245: {  	[tilespmem:v57+s29+$0x0] =	vst.idx.msk $0xffff, v48  }
0x246: {  	v58 =	vadd.s32 $0x305, v23;
	v48 =	vld [tilespmem:$0x2580];
	_ =	sdelay $0x4  }
0x247: {  	[tilespmem:v58+s29+$0x0] =	vst.idx.msk $0xffff, v48  }
0x248: {  	v59 =	vadd.s32 $0x485, v23;
	v48 =	vld [tilespmem:$0x2590];
	_ =	sdelay $0x4  }
0x249: {  	[tilespmem:v59+s29+$0x0] =	vst.idx.msk $0xffff, v48  }
0x24a: {  	v60 =	vor.u32 $0x605, v23;
	v48 =	vld [tilespmem:$0x25A0];
	_ =	sdelay $0x4  }
0x24b: {  	[tilespmem:v60+s29+$0x0] =	vst.idx.msk $0xffff, v48  }
0x24c: {  	v61 =	vadd.s32 $0x785, v23;
	v48 =	vld [tilespmem:$0x25B0];
	_ =	sdelay $0x4  }
0x24d: {  	[tilespmem:v61+s29+$0x0] =	vst.idx.msk $0xffff, v48  }
0x24e: {  	v62 =	vadd.s32 $0x905, v23;
	v48 =	vld [tilespmem:$0x25C0];
	_ =	sdelay $0x4  }
0x24f: {  	[tilespmem:v62+s29+$0x0] =	vst.idx.msk $0xffff, v48  }
0x250: {  	v63 =	vadd.s32 $0xA85, v23;
	v48 =	vld [tilespmem:$0x25D0];
	_ =	sdelay $0x4  }
0x251: {  	[tilespmem:v63+s29+$0x0] =	vst.idx.msk $0xffff, v48  }
0x252: {  	v52 =	vor.u32 $0xC05, v23;
	v48 =	vld [tilespmem:$0x25E0];
	_ =	sdelay $0x4  }
0x253: {  	[tilespmem:v52+s29+$0x0] =	vst.idx.msk $0xffff, v48  }
0x254: {  	v53 =	vadd.s32 $0xD85, v23;
	v48 =	vld [tilespmem:$0x25F0];
	_ =	sdelay $0x4  }
0x255: {  	[tilespmem:v53+s29+$0x0] =	vst.idx.msk $0xffff, v48  }
0x256: {  	v54 =	vadd.s32 $0xF05, v23;
	v48 =	vld [tilespmem:$0x2600];
	_ =	sdelay $0x4  }
0x257: {  	[tilespmem:v54+s29+$0x0] =	vst.idx.msk $0xffff, v48  }
0x258: {  	v55 =	vadd.s32 $0x1085, v23;
	v48 =	vld [tilespmem:$0x2610];
	_ =	sdelay $0x4  }
0x259: {  	[tilespmem:v55+s29+$0x0] =	vst.idx.msk $0xffff, v48  }
0x25a: {  	v56 =	vor.u32 $0x1205, v23;
	v48 =	vld [tilespmem:$0x2620];
	_ =	sdelay $0x4  }
0x25b: {  	[tilespmem:v56+s29+$0x0] =	vst.idx.msk $0xffff, v48  }
0x25c: {  	v57 =	vadd.s32 $0x1385, v23;
	v48 =	vld [tilespmem:$0x2630];
	_ =	sdelay $0x4  }
0x25d: {  	[tilespmem:v57+s29+$0x0] =	vst.idx.msk $0xffff, v48  }
0x25e: {  	v58 =	vadd.s32 $0x1505, v23;
	v48 =	vld [tilespmem:$0x2640];
	_ =	sdelay $0x4  }
0x25f: {  	[tilespmem:v58+s29+$0x0] =	vst.idx.msk $0xffff, v48  }
0x260: {  	v59 =	vadd.s32 $0x1685, v23;
	v48 =	vld [tilespmem:$0x2650];
	_ =	sdelay $0x4  }
0x261: {  	[tilespmem:v59+s29+$0x0] =	vst.idx.msk $0xffff, v48  }
0x262: {  	v60 =	vor.u32 $0x1805, v23;
	v48 =	vld [tilespmem:$0x2660];
	_ =	sdelay $0x4  }
0x263: {  	[tilespmem:v60+s29+$0x0] =	vst.idx.msk $0xffff, v48  }
0x264: {  	v61 =	vadd.s32 $0x1985, v23;
	v48 =	vld [tilespmem:$0x2670];
	_ =	sdelay $0x4  }
0x265: {  	[tilespmem:v61+s29+$0x0] =	vst.idx.msk $0xffff, v48  }
0x266: {  	v62 =	vadd.s32 $0x1B05, v23;
	v48 =	vld [tilespmem:$0x2680];
	_ =	sdelay $0x4  }
0x267: {  	[tilespmem:v62+s29+$0x0] =	vst.idx.msk $0xffff, v48  }
0x268: {  	v63 =	vadd.s32 $0x1C85, v23;
	v48 =	vld [tilespmem:$0x2690];
	_ =	sdelay $0x4  }
0x269: {  	[tilespmem:v63+s29+$0x0] =	vst.idx.msk $0xffff, v48  }
0x26a: {  	v52 =	vor.u32 $0x1E05, v23;
	v48 =	vld [tilespmem:$0x26A0];
	_ =	sdelay $0x4  }
0x26b: {  	[tilespmem:v52+s29+$0x0] =	vst.idx.msk $0xffff, v48  }
0x26c: {  	v53 =	vadd.s32 $0x1F85, v23;
	v48 =	vld [tilespmem:$0x26B0];
	_ =	sdelay $0x4  }
0x26d: {  	[tilespmem:v53+s29+$0x0] =	vst.idx.msk $0xffff, v48  }
0x26e: {  	v54 =	vadd.s32 $0x2105, v23;
	v48 =	vld [tilespmem:$0x26C0];
	_ =	sdelay $0x4  }
0x26f: {  	[tilespmem:v54+s29+$0x0] =	vst.idx.msk $0xffff, v48  }
0x270: {  	v55 =	vadd.s32 $0x2285, v23;
	v48 =	vld [tilespmem:$0x26D0];
	_ =	sdelay $0x4  }
0x271: {  	[tilespmem:v55+s29+$0x0] =	vst.idx.msk $0xffff, v48  }
0x272: {  	v56 =	vor.u32 $0x2405, v23;
	v48 =	vld [tilespmem:$0x26E0];
	_ =	sdelay $0x4  }
0x273: {  	[tilespmem:v56+s29+$0x0] =	vst.idx.msk $0xffff, v48  }
0x274: {  	v57 =	vadd.s32 $0x2585, v23;
	v48 =	vld [tilespmem:$0x26F0];
	_ =	sdelay $0x4  }
0x275: {  	[tilespmem:v57+s29+$0x0] =	vst.idx.msk $0xffff, v48  }
0x276: {  	v58 =	vadd.s32 $0x2705, v23;
	v48 =	vld [tilespmem:$0x2700];
	_ =	sdelay $0x4  }
0x277: {  	[tilespmem:v58+s29+$0x0] =	vst.idx.msk $0xffff, v48  }
0x278: {  	v59 =	vadd.s32 $0x2885, v23;
	v48 =	vld [tilespmem:$0x2710];
	_ =	sdelay $0x4  }
0x279: {  	[tilespmem:v59+s29+$0x0] =	vst.idx.msk $0xffff, v48  }
0x27a: {  	v60 =	vor.u32 $0x2A05, v23;
	v48 =	vld [tilespmem:$0x2720];
	_ =	sdelay $0x4  }
0x27b: {  	[tilespmem:v60+s29+$0x0] =	vst.idx.msk $0xffff, v48  }
0x27c: {  	v61 =	vadd.s32 $0x2B85, v23;
	v48 =	vld [tilespmem:$0x2730];
	_ =	sdelay $0x4  }
0x27d: {  	[tilespmem:v61+s29+$0x0] =	vst.idx.msk $0xffff, v48  }
0x27e: {  	v62 =	vadd.s32 $0x2D05, v23;
	v48 =	vld [tilespmem:$0x2740];
	_ =	sdelay $0x4  }
0x27f: {  	[tilespmem:v62+s29+$0x0] =	vst.idx.msk $0xffff, v48  }
0x280: {  	v63 =	vadd.s32 $0x2E85, v23;
	v48 =	vld [tilespmem:$0x2750];
	_ =	sdelay $0x4  }
0x281: {  	s1 =	sadd.s32 $0x1, s1;
	[tilespmem:v63+s29+$0x0] =	vst.idx.msk $0xffff, v48  }
0x282: {  	[hbm4b:s13+s31] =	stream.strided.scatter [tilespmem:s29], [sflag:$0x3], $0x3000, s28, s31, $0x38;
	[tilespmem:$0x5760] =	vst v63  }
0x283: {  	p0 =	sne.s32 s1, s14;
	_ =	swait.ge [sflag:s16], $0x3000  }
.Ltmp4:
0x284: {  	[sflag:s16] =	ssyncset.done $0x0;
	(pc) =	sbr.rel @p0 .LBB2_1-.Ltmp4, $4  }
0x285: {  	[sflag:s16] =	ssyncadd.s32 $0xFFFFD000  }
0x286: {  	_ =	swait.ge [sflag:s2], $0x1000  }
0x287: {  	[sflag:s2] =	ssyncset.done $0x0  }
0x288: {  	[sflag:s2] =	ssyncadd.s32 $0xFFFFF000  }
0x289: {  	_ =	sfence.sel $0x180000  }
0x28a: {  	[bflag:$0x0] =	sbarrier.arrive $0xFFFF  }
0x28b: {  	_ =	strace $0x90000047  }
0x28c: {  	s0 =	stileid.u32;
	[bflag:$0x2] =	sbarrier.arrive $0xFFFF  }
0x28d: {  	p0 =	sne.s32 s0, $0x0;
	s0 =	rddreg [dreg:$0x3]  }
0x28e: {  	s0 =	sadd.s32 @!p0 $0x100000, s0  }
0x28f: {  	[sflag:s0] =	ssyncadd.tile.s32 @!p0 $0x1;
	_ =	shalt  }
.Lfunc_end2:
_tile_overlayer_lowered:
.L_overlay_start_2:
0x290: {  	(tag) =	ssettag $0x2  }
0x291: {  	s0 =	rddreg [dreg:$0x0];
	s2 =	stileid.u32  }
0x292: {  	s1 =	rddreg [dreg:$0x1];
	p0 =	sne.s32 s2, $0x0  }
0x293: {  	s3 =	rddreg [dreg:$0x2];
	[bflag:$0x3] =	sbarrier.arrive $0xFFFF;
	s2 =	simm.s32 @!p0 $0x1C03  }
0x294: {  	[timem:s3], [sflag:s2] =	dma.local @!p0 [hbm:s0], s1  }
0x295: {  	s0 =	simm.s32 @!p0 $0x3  }
0x296: {  	_ =	swait.ge @!p0 [sflag:s0], s1  }
0x297: {  	s1 =	ssub.s32 @!p0 $0x0, s1;
	[sflag:s0] =	ssyncset.done @!p0 $0x0  }
0x298: {  	[sflag:s0] =	ssyncadd.s32 @!p0 s1  }
0x299: {  	[bflag:$0x3] =	sbarrier.arrive $0xFFFF  }
0x29a: {  	_ =	shalt  }

</sc_bundles>
